<compile_context>
chip_gen: v7x
topology: tpu7x:2x2x1
jax: 0.10.2.dev20260603
libtpu: 0.0.44.dev20260713+nightly
codegen_flags: <defaults>
</compile_context>

<pallas_src>
import jax
import jax.numpy as jnp
from jax import lax
from jax.experimental import pallas as pl
from jax.experimental.pallas import tpu as pltpu
from jax.experimental.pallas import tpu_sc as plsc

N = 10000
E = 320000
D = 128

NC = 2
NS = 16
SB = 125
IB = 16
EPT = E // (NC * NS)
IRPT = EPT // SB
NIT = IRPT // IB
NPAD = 10240
RPT = NPAD // NS
RCO = 128



_BM = 2000


def _mm_body(h_ref, w_ref, n_ref, o_ref):
    o_ref[...] = jnp.dot(h_ref[...], w_ref[...],
                         preferred_element_type=jnp.float32) * n_ref[...]


def _matmul_scale(h, W, norm):
    return pl.pallas_call(
        _mm_body,
        grid=(N // _BM,),
        in_specs=[
            pl.BlockSpec((_BM, D), lambda i: (i, 0)),
            pl.BlockSpec((D, D), lambda i: (0, 0)),
            pl.BlockSpec((_BM, 1), lambda i: (i, 0)),
        ],
        out_specs=pl.BlockSpec((_BM, D), lambda i: (i, 0)),
        out_shape=jax.ShapeDtypeStruct((N, D), jnp.float32),
    )(h, W, norm)



def _merge_body(p_ref, n_ref, o_ref):
    o_ref[...] = (p_ref[0] + p_ref[1]) * n_ref[...]


def _merge_scale(parts, norm):
    return pl.pallas_call(
        _merge_body,
        grid=(N // _BM,),
        in_specs=[
            pl.BlockSpec((NC, _BM, D), lambda i: (0, i, 0)),
            pl.BlockSpec((_BM, 1), lambda i: (i, 0)),
        ],
        out_specs=pl.BlockSpec((_BM, D), lambda i: (i, 0)),
        out_shape=jax.ShapeDtypeStruct((N, D), jnp.float32),
    )(parts, norm)



def _sc_body(hw, srcm, dstm, zer, out, agg_sh, idx_s, idx_d, rows, gsem, isem):
    c = lax.axis_index("c")
    s = lax.axis_index("s")
    row0 = s * RPT

    erow0 = (c * NS + s) * IRPT

    pltpu.async_copy(srcm.at[pl.ds(erow0, IB)], idx_s.at[0], gsem.at[0])
    pltpu.async_copy(dstm.at[pl.ds(erow0, IB)], idx_d.at[0], gsem.at[1])
    pltpu.async_copy(srcm.at[pl.ds(erow0 + IB, IB)], idx_s.at[1], isem)
    pltpu.async_copy(dstm.at[pl.ds(erow0 + IB, IB)], idx_d.at[1], isem)
    pltpu.make_async_copy(srcm.at[pl.ds(erow0, IB)], idx_s.at[0], gsem.at[0]).wait()
    pltpu.make_async_copy(dstm.at[pl.ds(erow0, IB)], idx_d.at[0], gsem.at[1]).wait()

    pltpu.async_copy(hw.at[idx_s.at[0, 0]], rows.at[0, pl.ds(0, SB)], gsem.at[0])
    pltpu.async_copy(hw.at[idx_s.at[0, 1]], rows.at[1, pl.ds(0, SB)], gsem.at[1])

    pltpu.sync_copy(zer, agg_sh.at[pl.ds(row0, RPT)])
    plsc.subcore_barrier()

    def chunk(i, carry):
        q = lax.rem(i, 2)
        qn = lax.rem(i + 1, 2)
        for j in range(IB):
            p = j % 2
            pltpu.make_async_copy(hw.at[idx_s.at[q, j]],
                                  rows.at[p, pl.ds(0, SB)], gsem.at[p]).wait()
            pltpu.sync_copy(rows.at[p, pl.ds(0, SB)],
                            agg_sh.at[idx_d.at[q, j]], add=True)
            if j == IB - 3:
                @pl.when(i + 1 < NIT)
                def _():
                    pltpu.make_async_copy(
                        srcm.at[pl.ds(erow0 + (i + 1) * IB, IB)],
                        idx_s.at[qn], isem).wait()
                    pltpu.make_async_copy(
                        dstm.at[pl.ds(erow0 + (i + 1) * IB, IB)],
                        idx_d.at[qn], isem).wait()
            if j < IB - 2:
                pltpu.async_copy(hw.at[idx_s.at[q, j + 2]],
                                 rows.at[p, pl.ds(0, SB)], gsem.at[p])
            else:
                @pl.when(i + 1 < NIT)
                def _():
                    pltpu.async_copy(hw.at[idx_s.at[qn, j + 2 - IB]],
                                     rows.at[p, pl.ds(0, SB)], gsem.at[p])
            if j == IB - 1:
                @pl.when(i + 2 < NIT)
                def _():
                    pltpu.async_copy(srcm.at[pl.ds(erow0 + (i + 2) * IB, IB)],
                                     idx_s.at[q], isem)
                    pltpu.async_copy(dstm.at[pl.ds(erow0 + (i + 2) * IB, IB)],
                                     idx_d.at[q], isem)
        return carry

    lax.fori_loop(0, NIT, chunk, 0)
    plsc.subcore_barrier()

    pltpu.sync_copy(agg_sh.at[pl.ds(row0, RPT)], out.at[c, pl.ds(row0, RPT)])


_sc_agg = pl.kernel(
    _sc_body,
    out_type=jax.ShapeDtypeStruct((NC, NPAD, D), jnp.float32),
    mesh=plsc.VectorSubcoreMesh(core_axis_name="c", subcore_axis_name="s"),
    scratch_types=[
        pltpu.MemorySpace.VMEM_SHARED((NPAD, D), jnp.float32),
        pltpu.MemorySpace.VMEM((2, IB, SB), jnp.int32),
        pltpu.MemorySpace.VMEM((2, IB, SB), jnp.int32),
        pltpu.MemorySpace.VMEM((2, RCO, D), jnp.float32),
        pltpu.SemaphoreType.DMA((2,)),
        pltpu.SemaphoreType.DMA,
    ],
)


def kernel(h, edge_index, norm, W):
    hw = _matmul_scale(h, W, norm)
    srcm = edge_index[0].reshape(E // SB, SB)
    dstm = edge_index[1].reshape(E // SB, SB)
    zer = jnp.zeros((RPT, D), jnp.float32)
    parts = _sc_agg(hw, srcm, dstm, zer)
    return _merge_scale(parts, norm)

# --- scband reference (transcript-rebuilt; emitter-appended) ---
"""Pipeline reference for scband-gcnlayer-36275293782548 (READ-ONLY COPY).

The authoritative reference and input builder live on the scoring server;
editing this copy changes nothing except your own understanding.
"""

import jax, jax.numpy as jnp
import numpy as np

N = 10000
E = 320000
D_IN = 128
D_OUT = 128

def setup_inputs(seed: int = 0) -> dict:
    key = jax.random.key(seed)
    k1, k2, k3, k4 = jax.random.split(key, 4)
    h = jax.random.normal(k1, (N, D_IN), dtype=jnp.float32)
    edge_index = jax.random.randint(k2, (2, E), 0, N, dtype=jnp.int32)
    # symmetric-normalization-style per-node scale (deg^{-1/2} analogue), strictly positive
    norm = jax.random.uniform(k3, (N, 1), dtype=jnp.float32, minval=0.1, maxval=1.0)
    # GCNLayer weight: uniform(-stdv, stdv), stdv = 1/sqrt(output_dim)
    stdv = 1.0 / np.sqrt(D_OUT)
    W = jax.random.uniform(k4, (D_IN, D_OUT), dtype=jnp.float32, minval=-stdv, maxval=stdv)
    return {"h": h, "edge_index": edge_index, "norm": norm, "W": W}

def reference(h, edge_index, norm, W):
    # dropout=0 and activation=None per init_kwargs -> both branches are no-ops
    hw = jnp.dot(h, W)                      # h = torch.mm(h, self.weight)
    hw = hw * norm                          # h = h * g.ndata['norm']
    src = edge_index[0]
    dst = edge_index[1]
    m = jnp.take(hw, src, axis=0)           # copy_src: gather source features per edge
    agg = jax.ops.segment_sum(m, dst, num_segments=h.shape[0])  # fn.sum -> scatter-add to dst
    out = agg * norm                        # h = h * g.ndata['norm']
    return out

if __name__ == "__main__":
    import jax
    _d = setup_inputs()
    print(jax.jit(kernel)(*tuple(_d.values())))

</pallas_src>

<mosaic_0001>
#map = affine_map<(d0, d1) -> (0, 0)>
#map1 = affine_map<(d0, d1) -> (0, 0, 0)>
module attributes {stable_mosaic.version = 14 : i64} {
  func.func @_sc_body(%arg0: i32, %arg1: i32, %arg2: memref<10000x128xf32, #tpu.memory_space<hbm>>, %arg3: memref<2560x125xi32, #tpu.memory_space<hbm>>, %arg4: memref<2560x125xi32, #tpu.memory_space<hbm>>, %arg5: memref<640x128xf32, #tpu.memory_space<hbm>>, %arg6: memref<2x10240x128xf32, #tpu.memory_space<hbm>>, %arg7: memref<10240x128xf32, #tpu.memory_space<vmem_shared>>, %arg8: memref<2x16x125xi32, #tpu.memory_space<vmem>>, %arg9: memref<2x16x125xi32, #tpu.memory_space<vmem>>, %arg10: memref<2x128x128xf32, #tpu.memory_space<vmem>>, %arg11: memref<2x!tpu.dma_semaphore, #tpu.memory_space<semaphore_mem>>, %arg12: memref<!tpu.dma_semaphore, #tpu.memory_space<semaphore_mem>>) attributes {dimension_semantics = [#tpu.dimension_semantics<core_parallel>, #tpu.dimension_semantics<subcore_parallel>], iteration_bounds = array<i64: 2, 16>, scalar_prefetch = 0 : i64, scratch_operands = 6 : i64, tpu.core_type = #tpu.core_type<sc_vector_subcore>, window_params = [{transform_indices = #map}, {transform_indices = #map}, {transform_indices = #map}, {transform_indices = #map}, {transform_indices = #map1}]} {
    %mul3A = arith.constant 640 : i32
    %mul3A_0 = arith.muli %arg1, %mul3A : i32
    %mul3A_1 = arith.constant 16 : i32
    %mul3A_2 = arith.muli %arg0, %mul3A_1 : i32
    %add3A = arith.addi %mul3A_2, %arg1 : i32
    %mul3A_3 = arith.constant 80 : i32
    %mul3A_4 = arith.muli %add3A, %mul3A_3 : i32
    %dma_start3A = arith.constant 0 : i32
    %dma_start3A_5 = arith.constant 0 : i32
    %dma_start3A_6 = arith.constant 0 : i32
    %dma_start3A_7 = arith.constant 0 : i32
    %dma_start3A_8 = tpu.memref_slice %arg8[%dma_start3A, %dma_start3A_6, %dma_start3A_7] : memref<2x16x125xi32, #tpu.memory_space<vmem>> -> memref<1x16x125xi32, #tpu.memory_space<vmem>>
    %dma_start3A_9 = tpu.memref_squeeze %dma_start3A_8 : memref<1x16x125xi32, #tpu.memory_space<vmem>> -> memref<16x125xi32, #tpu.memory_space<vmem>>
    %dma_start3A_10 = arith.constant 0 : i32
    %dma_start3A_11 = tpu.memref_slice %arg3[%mul3A_4, %dma_start3A_10] : memref<2560x125xi32, #tpu.memory_space<hbm>> -> memref<16x125xi32, #tpu.memory_space<hbm>>
    %dma_start3A_12 = tpu.memref_slice %arg11[%dma_start3A_5] : memref<2x!tpu.dma_semaphore, #tpu.memory_space<semaphore_mem>> -> memref<1x!tpu.dma_semaphore, #tpu.memory_space<semaphore_mem>>
    %dma_start3A_13 = tpu.memref_squeeze %dma_start3A_12 : memref<1x!tpu.dma_semaphore, #tpu.memory_space<semaphore_mem>> -> memref<!tpu.dma_semaphore, #tpu.memory_space<semaphore_mem>>
    %dma_start3A_14 = arith.constant 0 : i32
    %dma_start3A_15 = arith.constant 0 : i32
    %dma_start3A_16 = tpu.memref_slice %arg8[%dma_start3A, %dma_start3A_14, %dma_start3A_15] : memref<2x16x125xi32, #tpu.memory_space<vmem>> -> memref<1x16x125xi32, #tpu.memory_space<vmem>>
    %dma_start3A_17 = tpu.memref_squeeze %dma_start3A_16 : memref<1x16x125xi32, #tpu.memory_space<vmem>> -> memref<16x125xi32, #tpu.memory_space<vmem>>
    %dma_start3A_18 = arith.constant 0 : i32
    %dma_start3A_19 = tpu.memref_slice %arg3[%mul3A_4, %dma_start3A_18] : memref<2560x125xi32, #tpu.memory_space<hbm>> -> memref<16x125xi32, #tpu.memory_space<hbm>>
    tpu.enqueue_dma source(%dma_start3A_19 : memref<16x125xi32, #tpu.memory_space<hbm>>) target(%dma_start3A_17 : memref<16x125xi32, #tpu.memory_space<vmem>>) target_semaphore(%dma_start3A_13 : memref<!tpu.dma_semaphore, #tpu.memory_space<semaphore_mem>>)
    %dma_start3A_20 = arith.constant 0 : i32
    %dma_start3A_21 = arith.constant 1 : i32
    %dma_start3A_22 = arith.constant 0 : i32
    %dma_start3A_23 = arith.constant 0 : i32
    %dma_start3A_24 = tpu.memref_slice %arg9[%dma_start3A_20, %dma_start3A_22, %dma_start3A_23] : memref<2x16x125xi32, #tpu.memory_space<vmem>> -> memref<1x16x125xi32, #tpu.memory_space<vmem>>
    %dma_start3A_25 = tpu.memref_squeeze %dma_start3A_24 : memref<1x16x125xi32, #tpu.memory_space<vmem>> -> memref<16x125xi32, #tpu.memory_space<vmem>>
    %dma_start3A_26 = arith.constant 0 : i32
    %dma_start3A_27 = tpu.memref_slice %arg4[%mul3A_4, %dma_start3A_26] : memref<2560x125xi32, #tpu.memory_space<hbm>> -> memref<16x125xi32, #tpu.memory_space<hbm>>
    %dma_start3A_28 = tpu.memref_slice %arg11[%dma_start3A_21] : memref<2x!tpu.dma_semaphore, #tpu.memory_space<semaphore_mem>> -> memref<1x!tpu.dma_semaphore, #tpu.memory_space<semaphore_mem>>
    %dma_start3A_29 = tpu.memref_squeeze %dma_start3A_28 : memref<1x!tpu.dma_semaphore, #tpu.memory_space<semaphore_mem>> -> memref<!tpu.dma_semaphore, #tpu.memory_space<semaphore_mem>>
    %dma_start3A_30 = arith.constant 0 : i32
    %dma_start3A_31 = arith.constant 0 : i32
    %dma_start3A_32 = tpu.memref_slice %arg9[%dma_start3A_20, %dma_start3A_30, %dma_start3A_31] : memref<2x16x125xi32, #tpu.memory_space<vmem>> -> memref<1x16x125xi32, #tpu.memory_space<vmem>>
    %dma_start3A_33 = tpu.memref_squeeze %dma_start3A_32 : memref<1x16x125xi32, #tpu.memory_space<vmem>> -> memref<16x125xi32, #tpu.memory_space<vmem>>
    %dma_start3A_34 = arith.constant 0 : i32
    %dma_start3A_35 = tpu.memref_slice %arg4[%mul3A_4, %dma_start3A_34] : memref<2560x125xi32, #tpu.memory_space<hbm>> -> memref<16x125xi32, #tpu.memory_space<hbm>>
    tpu.enqueue_dma source(%dma_start3A_35 : memref<16x125xi32, #tpu.memory_space<hbm>>) target(%dma_start3A_33 : memref<16x125xi32, #tpu.memory_space<vmem>>) target_semaphore(%dma_start3A_29 : memref<!tpu.dma_semaphore, #tpu.memory_space<semaphore_mem>>)
    %add3A_36 = arith.constant 16 : i32
    %add3A_37 = arith.addi %mul3A_4, %add3A_36 : i32
    %dma_start3A_38 = arith.constant 1 : i32
    %dma_start3A_39 = arith.constant 0 : i32
    %dma_start3A_40 = arith.constant 0 : i32
    %dma_start3A_41 = tpu.memref_slice %arg8[%dma_start3A_38, %dma_start3A_39, %dma_start3A_40] : memref<2x16x125xi32, #tpu.memory_space<vmem>> -> memref<1x16x125xi32, #tpu.memory_space<vmem>>
    %dma_start3A_42 = tpu.memref_squeeze %dma_start3A_41 : memref<1x16x125xi32, #tpu.memory_space<vmem>> -> memref<16x125xi32, #tpu.memory_space<vmem>>
    %dma_start3A_43 = arith.constant 0 : i32
    %dma_start3A_44 = tpu.memref_slice %arg3[%add3A_37, %dma_start3A_43] : memref<2560x125xi32, #tpu.memory_space<hbm>> -> memref<16x125xi32, #tpu.memory_space<hbm>>
    %dma_start3A_45 = arith.constant 0 : i32
    %dma_start3A_46 = arith.constant 0 : i32
    %dma_start3A_47 = tpu.memref_slice %arg8[%dma_start3A_38, %dma_start3A_45, %dma_start3A_46] : memref<2x16x125xi32, #tpu.memory_space<vmem>> -> memref<1x16x125xi32, #tpu.memory_space<vmem>>
    %dma_start3A_48 = tpu.memref_squeeze %dma_start3A_47 : memref<1x16x125xi32, #tpu.memory_space<vmem>> -> memref<16x125xi32, #tpu.memory_space<vmem>>
    %dma_start3A_49 = arith.constant 0 : i32
    %dma_start3A_50 = tpu.memref_slice %arg3[%add3A_37, %dma_start3A_49] : memref<2560x125xi32, #tpu.memory_space<hbm>> -> memref<16x125xi32, #tpu.memory_space<hbm>>
    tpu.enqueue_dma source(%dma_start3A_50 : memref<16x125xi32, #tpu.memory_space<hbm>>) target(%dma_start3A_48 : memref<16x125xi32, #tpu.memory_space<vmem>>) target_semaphore(%arg12 : memref<!tpu.dma_semaphore, #tpu.memory_space<semaphore_mem>>)
    %add3A_51 = arith.constant 16 : i32
    %add3A_52 = arith.addi %mul3A_4, %add3A_51 : i32
    %dma_start3A_53 = arith.constant 1 : i32
    %dma_start3A_54 = arith.constant 0 : i32
    %dma_start3A_55 = arith.constant 0 : i32
    %dma_start3A_56 = tpu.memref_slice %arg9[%dma_start3A_53, %dma_start3A_54, %dma_start3A_55] : memref<2x16x125xi32, #tpu.memory_space<vmem>> -> memref<1x16x125xi32, #tpu.memory_space<vmem>>
    %dma_start3A_57 = tpu.memref_squeeze %dma_start3A_56 : memref<1x16x125xi32, #tpu.memory_space<vmem>> -> memref<16x125xi32, #tpu.memory_space<vmem>>
    %dma_start3A_58 = arith.constant 0 : i32
    %dma_start3A_59 = tpu.memref_slice %arg4[%add3A_52, %dma_start3A_58] : memref<2560x125xi32, #tpu.memory_space<hbm>> -> memref<16x125xi32, #tpu.memory_space<hbm>>
    %dma_start3A_60 = arith.constant 0 : i32
    %dma_start3A_61 = arith.constant 0 : i32
    %dma_start3A_62 = tpu.memref_slice %arg9[%dma_start3A_53, %dma_start3A_60, %dma_start3A_61] : memref<2x16x125xi32, #tpu.memory_space<vmem>> -> memref<1x16x125xi32, #tpu.memory_space<vmem>>
    %dma_start3A_63 = tpu.memref_squeeze %dma_start3A_62 : memref<1x16x125xi32, #tpu.memory_space<vmem>> -> memref<16x125xi32, #tpu.memory_space<vmem>>
    %dma_start3A_64 = arith.constant 0 : i32
    %dma_start3A_65 = tpu.memref_slice %arg4[%add3A_52, %dma_start3A_64] : memref<2560x125xi32, #tpu.memory_space<hbm>> -> memref<16x125xi32, #tpu.memory_space<hbm>>
    tpu.enqueue_dma source(%dma_start3A_65 : memref<16x125xi32, #tpu.memory_space<hbm>>) target(%dma_start3A_63 : memref<16x125xi32, #tpu.memory_space<vmem>>) target_semaphore(%arg12 : memref<!tpu.dma_semaphore, #tpu.memory_space<semaphore_mem>>)
    %dma_wait3A = arith.constant 0 : i32
    %dma_wait3A_66 = arith.constant 0 : i32
    %dma_wait3A_67 = arith.constant 0 : i32
    %dma_wait3A_68 = arith.constant 0 : i32
    %dma_wait3A_69 = tpu.memref_slice %arg8[%dma_wait3A, %dma_wait3A_67, %dma_wait3A_68] : memref<2x16x125xi32, #tpu.memory_space<vmem>> -> memref<1x16x125xi32, #tpu.memory_space<vmem>>
    %dma_wait3A_70 = tpu.memref_squeeze %dma_wait3A_69 : memref<1x16x125xi32, #tpu.memory_space<vmem>> -> memref<16x125xi32, #tpu.memory_space<vmem>>
    %dma_wait3A_71 = arith.constant 0 : i32
    %dma_wait3A_72 = tpu.memref_slice %arg3[%mul3A_4, %dma_wait3A_71] : memref<2560x125xi32, #tpu.memory_space<hbm>> -> memref<16x125xi32, #tpu.memory_space<hbm>>
    %dma_wait3A_73 = tpu.memref_slice %arg11[%dma_wait3A_66] : memref<2x!tpu.dma_semaphore, #tpu.memory_space<semaphore_mem>> -> memref<1x!tpu.dma_semaphore, #tpu.memory_space<semaphore_mem>>
    %dma_wait3A_74 = tpu.memref_squeeze %dma_wait3A_73 : memref<1x!tpu.dma_semaphore, #tpu.memory_space<semaphore_mem>> -> memref<!tpu.dma_semaphore, #tpu.memory_space<semaphore_mem>>
    %dma_wait3A_75 = arith.constant 0 : i32
    %dma_wait3A_76 = arith.constant 0 : i32
    %dma_wait3A_77 = tpu.memref_slice %arg8[%dma_wait3A, %dma_wait3A_75, %dma_wait3A_76] : memref<2x16x125xi32, #tpu.memory_space<vmem>> -> memref<1x16x125xi32, #tpu.memory_space<vmem>>
    %dma_wait3A_78 = tpu.memref_squeeze %dma_wait3A_77 : memref<1x16x125xi32, #tpu.memory_space<vmem>> -> memref<16x125xi32, #tpu.memory_space<vmem>>
    %dma_wait3A_79 = arith.constant 0 : i32
    %dma_wait3A_80 = tpu.memref_slice %arg3[%mul3A_4, %dma_wait3A_79] : memref<2560x125xi32, #tpu.memory_space<hbm>> -> memref<16x125xi32, #tpu.memory_space<hbm>>
    tpu.wait_dma2 semaphore(%dma_wait3A_74 : memref<!tpu.dma_semaphore, #tpu.memory_space<semaphore_mem>>) src(%dma_wait3A_80 : memref<16x125xi32, #tpu.memory_space<hbm>>) dst(%dma_wait3A_78 : memref<16x125xi32, #tpu.memory_space<vmem>>)
    %dma_wait3A_81 = arith.constant 0 : i32
    %dma_wait3A_82 = arith.constant 1 : i32
    %dma_wait3A_83 = arith.constant 0 : i32
    %dma_wait3A_84 = arith.constant 0 : i32
    %dma_wait3A_85 = tpu.memref_slice %arg9[%dma_wait3A_81, %dma_wait3A_83, %dma_wait3A_84] : memref<2x16x125xi32, #tpu.memory_space<vmem>> -> memref<1x16x125xi32, #tpu.memory_space<vmem>>
    %dma_wait3A_86 = tpu.memref_squeeze %dma_wait3A_85 : memref<1x16x125xi32, #tpu.memory_space<vmem>> -> memref<16x125xi32, #tpu.memory_space<vmem>>
    %dma_wait3A_87 = arith.constant 0 : i32
    %dma_wait3A_88 = tpu.memref_slice %arg4[%mul3A_4, %dma_wait3A_87] : memref<2560x125xi32, #tpu.memory_space<hbm>> -> memref<16x125xi32, #tpu.memory_space<hbm>>
    %dma_wait3A_89 = tpu.memref_slice %arg11[%dma_wait3A_82] : memref<2x!tpu.dma_semaphore, #tpu.memory_space<semaphore_mem>> -> memref<1x!tpu.dma_semaphore, #tpu.memory_space<semaphore_mem>>
    %dma_wait3A_90 = tpu.memref_squeeze %dma_wait3A_89 : memref<1x!tpu.dma_semaphore, #tpu.memory_space<semaphore_mem>> -> memref<!tpu.dma_semaphore, #tpu.memory_space<semaphore_mem>>
    %dma_wait3A_91 = arith.constant 0 : i32
    %dma_wait3A_92 = arith.constant 0 : i32
    %dma_wait3A_93 = tpu.memref_slice %arg9[%dma_wait3A_81, %dma_wait3A_91, %dma_wait3A_92] : memref<2x16x125xi32, #tpu.memory_space<vmem>> -> memref<1x16x125xi32, #tpu.memory_space<vmem>>
    %dma_wait3A_94 = tpu.memref_squeeze %dma_wait3A_93 : memref<1x16x125xi32, #tpu.memory_space<vmem>> -> memref<16x125xi32, #tpu.memory_space<vmem>>
    %dma_wait3A_95 = arith.constant 0 : i32
    %dma_wait3A_96 = tpu.memref_slice %arg4[%mul3A_4, %dma_wait3A_95] : memref<2560x125xi32, #tpu.memory_space<hbm>> -> memref<16x125xi32, #tpu.memory_space<hbm>>
    tpu.wait_dma2 semaphore(%dma_wait3A_90 : memref<!tpu.dma_semaphore, #tpu.memory_space<semaphore_mem>>) src(%dma_wait3A_96 : memref<16x125xi32, #tpu.memory_space<hbm>>) dst(%dma_wait3A_94 : memref<16x125xi32, #tpu.memory_space<vmem>>)
    %dma_start3A_97 = arith.constant 0 : i32
    %dma_start3A_98 = arith.constant 0 : i32
    %dma_start3A_99 = arith.constant 0 : i32
    %dma_start3A_100 = arith.constant 0 : i32
    %dma_start3A_101 = arith.constant 0 : i32
    %dma_start3A_102 = arith.constant 0 : i32
    %dma_start3A_103 = tpu.memref_slice %arg10[%dma_start3A_99, %dma_start3A_101, %dma_start3A_102] : memref<2x128x128xf32, #tpu.memory_space<vmem>> -> memref<1x125x128xf32, #tpu.memory_space<vmem>>
    %dma_start3A_104 = tpu.memref_squeeze %dma_start3A_103 : memref<1x125x128xf32, #tpu.memory_space<vmem>> -> memref<125x128xf32, #tpu.memory_space<vmem>>
    %dma_start3A_105 = arith.constant 0 : i32
    %dma_start3A_106 = tpu.memref_slice %arg8[%dma_start3A_97, %dma_start3A_98, %dma_start3A_105] : memref<2x16x125xi32, #tpu.memory_space<vmem>> -> memref<1x1x125xi32, #tpu.memory_space<vmem>>
    %dma_start3A_107 = tpu.memref_squeeze %dma_start3A_106 : memref<1x1x125xi32, #tpu.memory_space<vmem>> -> memref<125xi32, #tpu.memory_space<vmem>>
    %dma_start3A_108 = arith.constant 0 : i32
    %dma_start3A_109 = arith.constant 0 : i32
    %dma_start3A_110 = tpu.memref_slice %arg2[%dma_start3A_108, %dma_start3A_109] : memref<10000x128xf32, #tpu.memory_space<hbm>> -> memref<10000x128xf32, #tpu.memory_space<hbm>>
    %dma_start3A_111 = tpu.memref_slice %arg11[%dma_start3A_100] : memref<2x!tpu.dma_semaphore, #tpu.memory_space<semaphore_mem>> -> memref<1x!tpu.dma_semaphore, #tpu.memory_space<semaphore_mem>>
    %dma_start3A_112 = tpu.memref_squeeze %dma_start3A_111 : memref<1x!tpu.dma_semaphore, #tpu.memory_space<semaphore_mem>> -> memref<!tpu.dma_semaphore, #tpu.memory_space<semaphore_mem>>
    tpu.enqueue_indirect_dma source(%dma_start3A_110 : memref<10000x128xf32, #tpu.memory_space<hbm>>) target(%dma_start3A_104 : memref<125x128xf32, #tpu.memory_space<vmem>>) offsets(%dma_start3A_107 : memref<125xi32, #tpu.memory_space<vmem>>) semaphore(%dma_start3A_112 : memref<!tpu.dma_semaphore, #tpu.memory_space<semaphore_mem>>)
    %dma_start3A_113 = arith.constant 0 : i32
    %dma_start3A_114 = arith.constant 1 : i32
    %dma_start3A_115 = arith.constant 1 : i32
    %dma_start3A_116 = arith.constant 1 : i32
    %dma_start3A_117 = arith.constant 0 : i32
    %dma_start3A_118 = arith.constant 0 : i32
    %dma_start3A_119 = tpu.memref_slice %arg10[%dma_start3A_115, %dma_start3A_117, %dma_start3A_118] : memref<2x128x128xf32, #tpu.memory_space<vmem>> -> memref<1x125x128xf32, #tpu.memory_space<vmem>>
    %dma_start3A_120 = tpu.memref_squeeze %dma_start3A_119 : memref<1x125x128xf32, #tpu.memory_space<vmem>> -> memref<125x128xf32, #tpu.memory_space<vmem>>
    %dma_start3A_121 = arith.constant 0 : i32
    %dma_start3A_122 = tpu.memref_slice %arg8[%dma_start3A_113, %dma_start3A_114, %dma_start3A_121] : memref<2x16x125xi32, #tpu.memory_space<vmem>> -> memref<1x1x125xi32, #tpu.memory_space<vmem>>
    %dma_start3A_123 = tpu.memref_squeeze %dma_start3A_122 : memref<1x1x125xi32, #tpu.memory_space<vmem>> -> memref<125xi32, #tpu.memory_space<vmem>>
    %dma_start3A_124 = arith.constant 0 : i32
    %dma_start3A_125 = arith.constant 0 : i32
    %dma_start3A_126 = tpu.memref_slice %arg2[%dma_start3A_124, %dma_start3A_125] : memref<10000x128xf32, #tpu.memory_space<hbm>> -> memref<10000x128xf32, #tpu.memory_space<hbm>>
    %dma_start3A_127 = tpu.memref_slice %arg11[%dma_start3A_116] : memref<2x!tpu.dma_semaphore, #tpu.memory_space<semaphore_mem>> -> memref<1x!tpu.dma_semaphore, #tpu.memory_space<semaphore_mem>>
    %dma_start3A_128 = tpu.memref_squeeze %dma_start3A_127 : memref<1x!tpu.dma_semaphore, #tpu.memory_space<semaphore_mem>> -> memref<!tpu.dma_semaphore, #tpu.memory_space<semaphore_mem>>
    tpu.enqueue_indirect_dma source(%dma_start3A_126 : memref<10000x128xf32, #tpu.memory_space<hbm>>) target(%dma_start3A_120 : memref<125x128xf32, #tpu.memory_space<vmem>>) offsets(%dma_start3A_123 : memref<125xi32, #tpu.memory_space<vmem>>) semaphore(%dma_start3A_128 : memref<!tpu.dma_semaphore, #tpu.memory_space<semaphore_mem>>)
    "tpu.region"() ({
      %run_scoped3A = tpu.sem_alloc : memref<!tpu.dma_semaphore, #tpu.memory_space<semaphore_mem>>
      %dma_start3A_135 = arith.constant 0 : i32
      %dma_start3A_136 = tpu.memref_slice %arg7[%mul3A_0, %dma_start3A_135] : memref<10240x128xf32, #tpu.memory_space<vmem_shared>> -> memref<640x128xf32, #tpu.memory_space<vmem_shared>>
      tpu.enqueue_dma source(%arg5 : memref<640x128xf32, #tpu.memory_space<hbm>>) target(%dma_start3A_136 : memref<640x128xf32, #tpu.memory_space<vmem_shared>>) target_semaphore(%run_scoped3A : memref<!tpu.dma_semaphore, #tpu.memory_space<semaphore_mem>>)
      %dma_wait3A_137 = arith.constant 0 : i32
      %dma_wait3A_138 = tpu.memref_slice %arg7[%mul3A_0, %dma_wait3A_137] : memref<10240x128xf32, #tpu.memory_space<vmem_shared>> -> memref<640x128xf32, #tpu.memory_space<vmem_shared>>
      tpu.wait_dma2 semaphore(%run_scoped3A : memref<!tpu.dma_semaphore, #tpu.memory_space<semaphore_mem>>) src(%arg5 : memref<640x128xf32, #tpu.memory_space<hbm>>) dst(%dma_wait3A_138 : memref<640x128xf32, #tpu.memory_space<vmem_shared>>)
      tpu.yield
    }) : () -> ()
    %barrier3A = arith.constant 0 : index
    tpu.barrier barrier_id(%barrier3A)
    %scan3A = arith.constant 0 : i32
    %scan3A_129 = arith.constant 0 : i32
    %scan3A_130 = arith.constant 5 : i32
    %scan3A_131 = arith.addi %scan3A_129, %scan3A_130 : i32
    %scan3A_132 = arith.constant 1 : i32
    scf.for %scan3A_135 = %scan3A_129 to %scan3A_131 step %scan3A_132  : i32 {
      %rem3A = arith.constant 2 : i32
      %rem3A_136 = arith.remsi %scan3A_135, %rem3A : i32
      %add3A_137 = arith.constant 1 : i32
      %add3A_138 = arith.addi %scan3A_135, %add3A_137 : i32
      %rem3A_139 = arith.constant 2 : i32
      %rem3A_140 = arith.remsi %add3A_138, %rem3A_139 : i32
      %dma_wait3A_141 = arith.constant 0 : i32
      %dma_wait3A_142 = arith.constant 0 : i32
      %dma_wait3A_143 = arith.constant 0 : i32
      %dma_wait3A_144 = arith.constant 0 : i32
      %dma_wait3A_145 = arith.constant 0 : i32
      %dma_wait3A_146 = tpu.memref_slice %arg10[%dma_wait3A_142, %dma_wait3A_144, %dma_wait3A_145] : memref<2x128x128xf32, #tpu.memory_space<vmem>> -> memref<1x125x128xf32, #tpu.memory_space<vmem>>
      %dma_wait3A_147 = tpu.memref_squeeze %dma_wait3A_146 : memref<1x125x128xf32, #tpu.memory_space<vmem>> -> memref<125x128xf32, #tpu.memory_space<vmem>>
      %dma_wait3A_148 = arith.constant 0 : i32
      %dma_wait3A_149 = tpu.memref_slice %arg8[%rem3A_136, %dma_wait3A_141, %dma_wait3A_148] : memref<2x16x125xi32, #tpu.memory_space<vmem>> -> memref<1x1x125xi32, #tpu.memory_space<vmem>>
      %dma_wait3A_150 = tpu.memref_squeeze %dma_wait3A_149 : memref<1x1x125xi32, #tpu.memory_space<vmem>> -> memref<125xi32, #tpu.memory_space<vmem>>
      %dma_wait3A_151 = arith.constant 0 : i32
      %dma_wait3A_152 = arith.constant 0 : i32
      %dma_wait3A_153 = tpu.memref_slice %arg2[%dma_wait3A_151, %dma_wait3A_152] : memref<10000x128xf32, #tpu.memory_space<hbm>> -> memref<10000x128xf32, #tpu.memory_space<hbm>>
      %dma_wait3A_154 = tpu.memref_slice %arg11[%dma_wait3A_143] : memref<2x!tpu.dma_semaphore, #tpu.memory_space<semaphore_mem>> -> memref<1x!tpu.dma_semaphore, #tpu.memory_space<semaphore_mem>>
      %dma_wait3A_155 = tpu.memref_squeeze %dma_wait3A_154 : memref<1x!tpu.dma_semaphore, #tpu.memory_space<semaphore_mem>> -> memref<!tpu.dma_semaphore, #tpu.memory_space<semaphore_mem>>
      tpu.wait_indirect_dma semaphore(%dma_wait3A_155 : memref<!tpu.dma_semaphore, #tpu.memory_space<semaphore_mem>>) src(%dma_wait3A_153 : memref<10000x128xf32, #tpu.memory_space<hbm>>) dst(%dma_wait3A_147 : memref<125x128xf32, #tpu.memory_space<vmem>>)
      %run_scoped3A = arith.constant 0 : i32
      %run_scoped3A_156 = arith.constant 0 : i32
      "tpu.region"() ({
        %run_scoped3A_647 = tpu.sem_alloc : memref<!tpu.dma_semaphore, #tpu.memory_space<semaphore_mem>>
        %dma_start3A_648 = arith.constant 0 : i32
        %dma_start3A_649 = arith.constant 0 : i32
        %dma_start3A_650 = tpu.memref_slice %arg10[%run_scoped3A, %dma_start3A_648, %dma_start3A_649] : memref<2x128x128xf32, #tpu.memory_space<vmem>> -> memref<1x125x128xf32, #tpu.memory_space<vmem>>
        %dma_start3A_651 = tpu.memref_squeeze %dma_start3A_650 : memref<1x125x128xf32, #tpu.memory_space<vmem>> -> memref<125x128xf32, #tpu.memory_space<vmem>>
        %dma_start3A_652 = arith.constant 0 : i32
        %dma_start3A_653 = tpu.memref_slice %arg9[%rem3A_136, %run_scoped3A_156, %dma_start3A_652] : memref<2x16x125xi32, #tpu.memory_space<vmem>> -> memref<1x1x125xi32, #tpu.memory_space<vmem>>
        %dma_start3A_654 = tpu.memref_squeeze %dma_start3A_653 : memref<1x1x125xi32, #tpu.memory_space<vmem>> -> memref<125xi32, #tpu.memory_space<vmem>>
        %dma_start3A_655 = arith.constant 0 : i32
        %dma_start3A_656 = arith.constant 0 : i32
        %dma_start3A_657 = tpu.memref_slice %arg7[%dma_start3A_655, %dma_start3A_656] : memref<10240x128xf32, #tpu.memory_space<vmem_shared>> -> memref<10240x128xf32, #tpu.memory_space<vmem_shared>>
        tpu.enqueue_indirect_dma source(%dma_start3A_651 : memref<125x128xf32, #tpu.memory_space<vmem>>) target(%dma_start3A_657 : memref<10240x128xf32, #tpu.memory_space<vmem_shared>>) offsets(%dma_start3A_654 : memref<125xi32, #tpu.memory_space<vmem>>) semaphore(%run_scoped3A_647 : memref<!tpu.dma_semaphore, #tpu.memory_space<semaphore_mem>>) {add = true}
        %dma_wait3A_658 = arith.constant 0 : i32
        %dma_wait3A_659 = arith.constant 0 : i32
        %dma_wait3A_660 = tpu.memref_slice %arg10[%run_scoped3A, %dma_wait3A_658, %dma_wait3A_659] : memref<2x128x128xf32, #tpu.memory_space<vmem>> -> memref<1x125x128xf32, #tpu.memory_space<vmem>>
        %dma_wait3A_661 = tpu.memref_squeeze %dma_wait3A_660 : memref<1x125x128xf32, #tpu.memory_space<vmem>> -> memref<125x128xf32, #tpu.memory_space<vmem>>
        %dma_wait3A_662 = arith.constant 0 : i32
        %dma_wait3A_663 = tpu.memref_slice %arg9[%rem3A_136, %run_scoped3A_156, %dma_wait3A_662] : memref<2x16x125xi32, #tpu.memory_space<vmem>> -> memref<1x1x125xi32, #tpu.memory_space<vmem>>
        %dma_wait3A_664 = tpu.memref_squeeze %dma_wait3A_663 : memref<1x1x125xi32, #tpu.memory_space<vmem>> -> memref<125xi32, #tpu.memory_space<vmem>>
        %dma_wait3A_665 = arith.constant 0 : i32
        %dma_wait3A_666 = arith.constant 0 : i32
        %dma_wait3A_667 = tpu.memref_slice %arg7[%dma_wait3A_665, %dma_wait3A_666] : memref<10240x128xf32, #tpu.memory_space<vmem_shared>> -> memref<10240x128xf32, #tpu.memory_space<vmem_shared>>
        tpu.wait_indirect_dma semaphore(%run_scoped3A_647 : memref<!tpu.dma_semaphore, #tpu.memory_space<semaphore_mem>>) src(%dma_wait3A_661 : memref<125x128xf32, #tpu.memory_space<vmem>>) dst(%dma_wait3A_667 : memref<10240x128xf32, #tpu.memory_space<vmem_shared>>)
        tpu.yield
      }) : () -> ()
      %dma_start3A_157 = arith.constant 2 : i32
      %dma_start3A_158 = arith.constant 0 : i32
      %dma_start3A_159 = arith.constant 0 : i32
      %dma_start3A_160 = arith.constant 0 : i32
      %dma_start3A_161 = arith.constant 0 : i32
      %dma_start3A_162 = tpu.memref_slice %arg10[%dma_start3A_158, %dma_start3A_160, %dma_start3A_161] : memref<2x128x128xf32, #tpu.memory_space<vmem>> -> memref<1x125x128xf32, #tpu.memory_space<vmem>>
      %dma_start3A_163 = tpu.memref_squeeze %dma_start3A_162 : memref<1x125x128xf32, #tpu.memory_space<vmem>> -> memref<125x128xf32, #tpu.memory_space<vmem>>
      %dma_start3A_164 = arith.constant 0 : i32
      %dma_start3A_165 = tpu.memref_slice %arg8[%rem3A_136, %dma_start3A_157, %dma_start3A_164] : memref<2x16x125xi32, #tpu.memory_space<vmem>> -> memref<1x1x125xi32, #tpu.memory_space<vmem>>
      %dma_start3A_166 = tpu.memref_squeeze %dma_start3A_165 : memref<1x1x125xi32, #tpu.memory_space<vmem>> -> memref<125xi32, #tpu.memory_space<vmem>>
      %dma_start3A_167 = arith.constant 0 : i32
      %dma_start3A_168 = arith.constant 0 : i32
      %dma_start3A_169 = tpu.memref_slice %arg2[%dma_start3A_167, %dma_start3A_168] : memref<10000x128xf32, #tpu.memory_space<hbm>> -> memref<10000x128xf32, #tpu.memory_space<hbm>>
      %dma_start3A_170 = tpu.memref_slice %arg11[%dma_start3A_159] : memref<2x!tpu.dma_semaphore, #tpu.memory_space<semaphore_mem>> -> memref<1x!tpu.dma_semaphore, #tpu.memory_space<semaphore_mem>>
      %dma_start3A_171 = tpu.memref_squeeze %dma_start3A_170 : memref<1x!tpu.dma_semaphore, #tpu.memory_space<semaphore_mem>> -> memref<!tpu.dma_semaphore, #tpu.memory_space<semaphore_mem>>
      tpu.enqueue_indirect_dma source(%dma_start3A_169 : memref<10000x128xf32, #tpu.memory_space<hbm>>) target(%dma_start3A_163 : memref<125x128xf32, #tpu.memory_space<vmem>>) offsets(%dma_start3A_166 : memref<125xi32, #tpu.memory_space<vmem>>) semaphore(%dma_start3A_171 : memref<!tpu.dma_semaphore, #tpu.memory_space<semaphore_mem>>)
      %dma_wait3A_172 = arith.constant 1 : i32
      %dma_wait3A_173 = arith.constant 1 : i32
      %dma_wait3A_174 = arith.constant 1 : i32
      %dma_wait3A_175 = arith.constant 0 : i32
      %dma_wait3A_176 = arith.constant 0 : i32
      %dma_wait3A_177 = tpu.memref_slice %arg10[%dma_wait3A_173, %dma_wait3A_175, %dma_wait3A_176] : memref<2x128x128xf32, #tpu.memory_space<vmem>> -> memref<1x125x128xf32, #tpu.memory_space<vmem>>
      %dma_wait3A_178 = tpu.memref_squeeze %dma_wait3A_177 : memref<1x125x128xf32, #tpu.memory_space<vmem>> -> memref<125x128xf32, #tpu.memory_space<vmem>>
      %dma_wait3A_179 = arith.constant 0 : i32
      %dma_wait3A_180 = tpu.memref_slice %arg8[%rem3A_136, %dma_wait3A_172, %dma_wait3A_179] : memref<2x16x125xi32, #tpu.memory_space<vmem>> -> memref<1x1x125xi32, #tpu.memory_space<vmem>>
      %dma_wait3A_181 = tpu.memref_squeeze %dma_wait3A_180 : memref<1x1x125xi32, #tpu.memory_space<vmem>> -> memref<125xi32, #tpu.memory_space<vmem>>
      %dma_wait3A_182 = arith.constant 0 : i32
      %dma_wait3A_183 = arith.constant 0 : i32
      %dma_wait3A_184 = tpu.memref_slice %arg2[%dma_wait3A_182, %dma_wait3A_183] : memref<10000x128xf32, #tpu.memory_space<hbm>> -> memref<10000x128xf32, #tpu.memory_space<hbm>>
      %dma_wait3A_185 = tpu.memref_slice %arg11[%dma_wait3A_174] : memref<2x!tpu.dma_semaphore, #tpu.memory_space<semaphore_mem>> -> memref<1x!tpu.dma_semaphore, #tpu.memory_space<semaphore_mem>>
      %dma_wait3A_186 = tpu.memref_squeeze %dma_wait3A_185 : memref<1x!tpu.dma_semaphore, #tpu.memory_space<semaphore_mem>> -> memref<!tpu.dma_semaphore, #tpu.memory_space<semaphore_mem>>
      tpu.wait_indirect_dma semaphore(%dma_wait3A_186 : memref<!tpu.dma_semaphore, #tpu.memory_space<semaphore_mem>>) src(%dma_wait3A_184 : memref<10000x128xf32, #tpu.memory_space<hbm>>) dst(%dma_wait3A_178 : memref<125x128xf32, #tpu.memory_space<vmem>>)
      %run_scoped3A_187 = arith.constant 1 : i32
      %run_scoped3A_188 = arith.constant 1 : i32
      "tpu.region"() ({
        %run_scoped3A_647 = tpu.sem_alloc : memref<!tpu.dma_semaphore, #tpu.memory_space<semaphore_mem>>
        %dma_start3A_648 = arith.constant 0 : i32
        %dma_start3A_649 = arith.constant 0 : i32
        %dma_start3A_650 = tpu.memref_slice %arg10[%run_scoped3A_187, %dma_start3A_648, %dma_start3A_649] : memref<2x128x128xf32, #tpu.memory_space<vmem>> -> memref<1x125x128xf32, #tpu.memory_space<vmem>>
        %dma_start3A_651 = tpu.memref_squeeze %dma_start3A_650 : memref<1x125x128xf32, #tpu.memory_space<vmem>> -> memref<125x128xf32, #tpu.memory_space<vmem>>
        %dma_start3A_652 = arith.constant 0 : i32
        %dma_start3A_653 = tpu.memref_slice %arg9[%rem3A_136, %run_scoped3A_188, %dma_start3A_652] : memref<2x16x125xi32, #tpu.memory_space<vmem>> -> memref<1x1x125xi32, #tpu.memory_space<vmem>>
        %dma_start3A_654 = tpu.memref_squeeze %dma_start3A_653 : memref<1x1x125xi32, #tpu.memory_space<vmem>> -> memref<125xi32, #tpu.memory_space<vmem>>
        %dma_start3A_655 = arith.constant 0 : i32
        %dma_start3A_656 = arith.constant 0 : i32
        %dma_start3A_657 = tpu.memref_slice %arg7[%dma_start3A_655, %dma_start3A_656] : memref<10240x128xf32, #tpu.memory_space<vmem_shared>> -> memref<10240x128xf32, #tpu.memory_space<vmem_shared>>
        tpu.enqueue_indirect_dma source(%dma_start3A_651 : memref<125x128xf32, #tpu.memory_space<vmem>>) target(%dma_start3A_657 : memref<10240x128xf32, #tpu.memory_space<vmem_shared>>) offsets(%dma_start3A_654 : memref<125xi32, #tpu.memory_space<vmem>>) semaphore(%run_scoped3A_647 : memref<!tpu.dma_semaphore, #tpu.memory_space<semaphore_mem>>) {add = true}
        %dma_wait3A_658 = arith.constant 0 : i32
        %dma_wait3A_659 = arith.constant 0 : i32
        %dma_wait3A_660 = tpu.memref_slice %arg10[%run_scoped3A_187, %dma_wait3A_658, %dma_wait3A_659] : memref<2x128x128xf32, #tpu.memory_space<vmem>> -> memref<1x125x128xf32, #tpu.memory_space<vmem>>
        %dma_wait3A_661 = tpu.memref_squeeze %dma_wait3A_660 : memref<1x125x128xf32, #tpu.memory_space<vmem>> -> memref<125x128xf32, #tpu.memory_space<vmem>>
        %dma_wait3A_662 = arith.constant 0 : i32
        %dma_wait3A_663 = tpu.memref_slice %arg9[%rem3A_136, %run_scoped3A_188, %dma_wait3A_662] : memref<2x16x125xi32, #tpu.memory_space<vmem>> -> memref<1x1x125xi32, #tpu.memory_space<vmem>>
        %dma_wait3A_664 = tpu.memref_squeeze %dma_wait3A_663 : memref<1x1x125xi32, #tpu.memory_space<vmem>> -> memref<125xi32, #tpu.memory_space<vmem>>
        %dma_wait3A_665 = arith.constant 0 : i32
        %dma_wait3A_666 = arith.constant 0 : i32
        %dma_wait3A_667 = tpu.memref_slice %arg7[%dma_wait3A_665, %dma_wait3A_666] : memref<10240x128xf32, #tpu.memory_space<vmem_shared>> -> memref<10240x128xf32, #tpu.memory_space<vmem_shared>>
        tpu.wait_indirect_dma semaphore(%run_scoped3A_647 : memref<!tpu.dma_semaphore, #tpu.memory_space<semaphore_mem>>) src(%dma_wait3A_661 : memref<125x128xf32, #tpu.memory_space<vmem>>) dst(%dma_wait3A_667 : memref<10240x128xf32, #tpu.memory_space<vmem_shared>>)
        tpu.yield
      }) : () -> ()
      %dma_start3A_189 = arith.constant 3 : i32
      %dma_start3A_190 = arith.constant 1 : i32
      %dma_start3A_191 = arith.constant 1 : i32
      %dma_start3A_192 = arith.constant 0 : i32
      %dma_start3A_193 = arith.constant 0 : i32
      %dma_start3A_194 = tpu.memref_slice %arg10[%dma_start3A_190, %dma_start3A_192, %dma_start3A_193] : memref<2x128x128xf32, #tpu.memory_space<vmem>> -> memref<1x125x128xf32, #tpu.memory_space<vmem>>
      %dma_start3A_195 = tpu.memref_squeeze %dma_start3A_194 : memref<1x125x128xf32, #tpu.memory_space<vmem>> -> memref<125x128xf32, #tpu.memory_space<vmem>>
      %dma_start3A_196 = arith.constant 0 : i32
      %dma_start3A_197 = tpu.memref_slice %arg8[%rem3A_136, %dma_start3A_189, %dma_start3A_196] : memref<2x16x125xi32, #tpu.memory_space<vmem>> -> memref<1x1x125xi32, #tpu.memory_space<vmem>>
      %dma_start3A_198 = tpu.memref_squeeze %dma_start3A_197 : memref<1x1x125xi32, #tpu.memory_space<vmem>> -> memref<125xi32, #tpu.memory_space<vmem>>
      %dma_start3A_199 = arith.constant 0 : i32
      %dma_start3A_200 = arith.constant 0 : i32
      %dma_start3A_201 = tpu.memref_slice %arg2[%dma_start3A_199, %dma_start3A_200] : memref<10000x128xf32, #tpu.memory_space<hbm>> -> memref<10000x128xf32, #tpu.memory_space<hbm>>
      %dma_start3A_202 = tpu.memref_slice %arg11[%dma_start3A_191] : memref<2x!tpu.dma_semaphore, #tpu.memory_space<semaphore_mem>> -> memref<1x!tpu.dma_semaphore, #tpu.memory_space<semaphore_mem>>
      %dma_start3A_203 = tpu.memref_squeeze %dma_start3A_202 : memref<1x!tpu.dma_semaphore, #tpu.memory_space<semaphore_mem>> -> memref<!tpu.dma_semaphore, #tpu.memory_space<semaphore_mem>>
      tpu.enqueue_indirect_dma source(%dma_start3A_201 : memref<10000x128xf32, #tpu.memory_space<hbm>>) target(%dma_start3A_195 : memref<125x128xf32, #tpu.memory_space<vmem>>) offsets(%dma_start3A_198 : memref<125xi32, #tpu.memory_space<vmem>>) semaphore(%dma_start3A_203 : memref<!tpu.dma_semaphore, #tpu.memory_space<semaphore_mem>>)
      %dma_wait3A_204 = arith.constant 2 : i32
      %dma_wait3A_205 = arith.constant 0 : i32
      %dma_wait3A_206 = arith.constant 0 : i32
      %dma_wait3A_207 = arith.constant 0 : i32
      %dma_wait3A_208 = arith.constant 0 : i32
      %dma_wait3A_209 = tpu.memref_slice %arg10[%dma_wait3A_205, %dma_wait3A_207, %dma_wait3A_208] : memref<2x128x128xf32, #tpu.memory_space<vmem>> -> memref<1x125x128xf32, #tpu.memory_space<vmem>>
      %dma_wait3A_210 = tpu.memref_squeeze %dma_wait3A_209 : memref<1x125x128xf32, #tpu.memory_space<vmem>> -> memref<125x128xf32, #tpu.memory_space<vmem>>
      %dma_wait3A_211 = arith.constant 0 : i32
      %dma_wait3A_212 = tpu.memref_slice %arg8[%rem3A_136, %dma_wait3A_204, %dma_wait3A_211] : memref<2x16x125xi32, #tpu.memory_space<vmem>> -> memref<1x1x125xi32, #tpu.memory_space<vmem>>
      %dma_wait3A_213 = tpu.memref_squeeze %dma_wait3A_212 : memref<1x1x125xi32, #tpu.memory_space<vmem>> -> memref<125xi32, #tpu.memory_space<vmem>>
      %dma_wait3A_214 = arith.constant 0 : i32
      %dma_wait3A_215 = arith.constant 0 : i32
      %dma_wait3A_216 = tpu.memref_slice %arg2[%dma_wait3A_214, %dma_wait3A_215] : memref<10000x128xf32, #tpu.memory_space<hbm>> -> memref<10000x128xf32, #tpu.memory_space<hbm>>
      %dma_wait3A_217 = tpu.memref_slice %arg11[%dma_wait3A_206] : memref<2x!tpu.dma_semaphore, #tpu.memory_space<semaphore_mem>> -> memref<1x!tpu.dma_semaphore, #tpu.memory_space<semaphore_mem>>
      %dma_wait3A_218 = tpu.memref_squeeze %dma_wait3A_217 : memref<1x!tpu.dma_semaphore, #tpu.memory_space<semaphore_mem>> -> memref<!tpu.dma_semaphore, #tpu.memory_space<semaphore_mem>>
      tpu.wait_indirect_dma semaphore(%dma_wait3A_218 : memref<!tpu.dma_semaphore, #tpu.memory_space<semaphore_mem>>) src(%dma_wait3A_216 : memref<10000x128xf32, #tpu.memory_space<hbm>>) dst(%dma_wait3A_210 : memref<125x128xf32, #tpu.memory_space<vmem>>)
      %run_scoped3A_219 = arith.constant 0 : i32
      %run_scoped3A_220 = arith.constant 2 : i32
      "tpu.region"() ({
        %run_scoped3A_647 = tpu.sem_alloc : memref<!tpu.dma_semaphore, #tpu.memory_space<semaphore_mem>>
        %dma_start3A_648 = arith.constant 0 : i32
        %dma_start3A_649 = arith.constant 0 : i32
        %dma_start3A_650 = tpu.memref_slice %arg10[%run_scoped3A_219, %dma_start3A_648, %dma_start3A_649] : memref<2x128x128xf32, #tpu.memory_space<vmem>> -> memref<1x125x128xf32, #tpu.memory_space<vmem>>
        %dma_start3A_651 = tpu.memref_squeeze %dma_start3A_650 : memref<1x125x128xf32, #tpu.memory_space<vmem>> -> memref<125x128xf32, #tpu.memory_space<vmem>>
        %dma_start3A_652 = arith.constant 0 : i32
        %dma_start3A_653 = tpu.memref_slice %arg9[%rem3A_136, %run_scoped3A_220, %dma_start3A_652] : memref<2x16x125xi32, #tpu.memory_space<vmem>> -> memref<1x1x125xi32, #tpu.memory_space<vmem>>
        %dma_start3A_654 = tpu.memref_squeeze %dma_start3A_653 : memref<1x1x125xi32, #tpu.memory_space<vmem>> -> memref<125xi32, #tpu.memory_space<vmem>>
        %dma_start3A_655 = arith.constant 0 : i32
        %dma_start3A_656 = arith.constant 0 : i32
        %dma_start3A_657 = tpu.memref_slice %arg7[%dma_start3A_655, %dma_start3A_656] : memref<10240x128xf32, #tpu.memory_space<vmem_shared>> -> memref<10240x128xf32, #tpu.memory_space<vmem_shared>>
        tpu.enqueue_indirect_dma source(%dma_start3A_651 : memref<125x128xf32, #tpu.memory_space<vmem>>) target(%dma_start3A_657 : memref<10240x128xf32, #tpu.memory_space<vmem_shared>>) offsets(%dma_start3A_654 : memref<125xi32, #tpu.memory_space<vmem>>) semaphore(%run_scoped3A_647 : memref<!tpu.dma_semaphore, #tpu.memory_space<semaphore_mem>>) {add = true}
        %dma_wait3A_658 = arith.constant 0 : i32
        %dma_wait3A_659 = arith.constant 0 : i32
        %dma_wait3A_660 = tpu.memref_slice %arg10[%run_scoped3A_219, %dma_wait3A_658, %dma_wait3A_659] : memref<2x128x128xf32, #tpu.memory_space<vmem>> -> memref<1x125x128xf32, #tpu.memory_space<vmem>>
        %dma_wait3A_661 = tpu.memref_squeeze %dma_wait3A_660 : memref<1x125x128xf32, #tpu.memory_space<vmem>> -> memref<125x128xf32, #tpu.memory_space<vmem>>
        %dma_wait3A_662 = arith.constant 0 : i32
        %dma_wait3A_663 = tpu.memref_slice %arg9[%rem3A_136, %run_scoped3A_220, %dma_wait3A_662] : memref<2x16x125xi32, #tpu.memory_space<vmem>> -> memref<1x1x125xi32, #tpu.memory_space<vmem>>
        %dma_wait3A_664 = tpu.memref_squeeze %dma_wait3A_663 : memref<1x1x125xi32, #tpu.memory_space<vmem>> -> memref<125xi32, #tpu.memory_space<vmem>>
        %dma_wait3A_665 = arith.constant 0 : i32
        %dma_wait3A_666 = arith.constant 0 : i32
        %dma_wait3A_667 = tpu.memref_slice %arg7[%dma_wait3A_665, %dma_wait3A_666] : memref<10240x128xf32, #tpu.memory_space<vmem_shared>> -> memref<10240x128xf32, #tpu.memory_space<vmem_shared>>
        tpu.wait_indirect_dma semaphore(%run_scoped3A_647 : memref<!tpu.dma_semaphore, #tpu.memory_space<semaphore_mem>>) src(%dma_wait3A_661 : memref<125x128xf32, #tpu.memory_space<vmem>>) dst(%dma_wait3A_667 : memref<10240x128xf32, #tpu.memory_space<vmem_shared>>)
        tpu.yield
      }) : () -> ()
      %dma_start3A_221 = arith.constant 4 : i32
      %dma_start3A_222 = arith.constant 0 : i32
      %dma_start3A_223 = arith.constant 0 : i32
      %dma_start3A_224 = arith.constant 0 : i32
      %dma_start3A_225 = arith.constant 0 : i32
      %dma_start3A_226 = tpu.memref_slice %arg10[%dma_start3A_222, %dma_start3A_224, %dma_start3A_225] : memref<2x128x128xf32, #tpu.memory_space<vmem>> -> memref<1x125x128xf32, #tpu.memory_space<vmem>>
      %dma_start3A_227 = tpu.memref_squeeze %dma_start3A_226 : memref<1x125x128xf32, #tpu.memory_space<vmem>> -> memref<125x128xf32, #tpu.memory_space<vmem>>
      %dma_start3A_228 = arith.constant 0 : i32
      %dma_start3A_229 = tpu.memref_slice %arg8[%rem3A_136, %dma_start3A_221, %dma_start3A_228] : memref<2x16x125xi32, #tpu.memory_space<vmem>> -> memref<1x1x125xi32, #tpu.memory_space<vmem>>
      %dma_start3A_230 = tpu.memref_squeeze %dma_start3A_229 : memref<1x1x125xi32, #tpu.memory_space<vmem>> -> memref<125xi32, #tpu.memory_space<vmem>>
      %dma_start3A_231 = arith.constant 0 : i32
      %dma_start3A_232 = arith.constant 0 : i32
      %dma_start3A_233 = tpu.memref_slice %arg2[%dma_start3A_231, %dma_start3A_232] : memref<10000x128xf32, #tpu.memory_space<hbm>> -> memref<10000x128xf32, #tpu.memory_space<hbm>>
      %dma_start3A_234 = tpu.memref_slice %arg11[%dma_start3A_223] : memref<2x!tpu.dma_semaphore, #tpu.memory_space<semaphore_mem>> -> memref<1x!tpu.dma_semaphore, #tpu.memory_space<semaphore_mem>>
      %dma_start3A_235 = tpu.memref_squeeze %dma_start3A_234 : memref<1x!tpu.dma_semaphore, #tpu.memory_space<semaphore_mem>> -> memref<!tpu.dma_semaphore, #tpu.memory_space<semaphore_mem>>
      tpu.enqueue_indirect_dma source(%dma_start3A_233 : memref<10000x128xf32, #tpu.memory_space<hbm>>) target(%dma_start3A_227 : memref<125x128xf32, #tpu.memory_space<vmem>>) offsets(%dma_start3A_230 : memref<125xi32, #tpu.memory_space<vmem>>) semaphore(%dma_start3A_235 : memref<!tpu.dma_semaphore, #tpu.memory_space<semaphore_mem>>)
      %dma_wait3A_236 = arith.constant 3 : i32
      %dma_wait3A_237 = arith.constant 1 : i32
      %dma_wait3A_238 = arith.constant 1 : i32
      %dma_wait3A_239 = arith.constant 0 : i32
      %dma_wait3A_240 = arith.constant 0 : i32
      %dma_wait3A_241 = tpu.memref_slice %arg10[%dma_wait3A_237, %dma_wait3A_239, %dma_wait3A_240] : memref<2x128x128xf32, #tpu.memory_space<vmem>> -> memref<1x125x128xf32, #tpu.memory_space<vmem>>
      %dma_wait3A_242 = tpu.memref_squeeze %dma_wait3A_241 : memref<1x125x128xf32, #tpu.memory_space<vmem>> -> memref<125x128xf32, #tpu.memory_space<vmem>>
      %dma_wait3A_243 = arith.constant 0 : i32
      %dma_wait3A_244 = tpu.memref_slice %arg8[%rem3A_136, %dma_wait3A_236, %dma_wait3A_243] : memref<2x16x125xi32, #tpu.memory_space<vmem>> -> memref<1x1x125xi32, #tpu.memory_space<vmem>>
      %dma_wait3A_245 = tpu.memref_squeeze %dma_wait3A_244 : memref<1x1x125xi32, #tpu.memory_space<vmem>> -> memref<125xi32, #tpu.memory_space<vmem>>
      %dma_wait3A_246 = arith.constant 0 : i32
      %dma_wait3A_247 = arith.constant 0 : i32
      %dma_wait3A_248 = tpu.memref_slice %arg2[%dma_wait3A_246, %dma_wait3A_247] : memref<10000x128xf32, #tpu.memory_space<hbm>> -> memref<10000x128xf32, #tpu.memory_space<hbm>>
      %dma_wait3A_249 = tpu.memref_slice %arg11[%dma_wait3A_238] : memref<2x!tpu.dma_semaphore, #tpu.memory_space<semaphore_mem>> -> memref<1x!tpu.dma_semaphore, #tpu.memory_space<semaphore_mem>>
      %dma_wait3A_250 = tpu.memref_squeeze %dma_wait3A_249 : memref<1x!tpu.dma_semaphore, #tpu.memory_space<semaphore_mem>> -> memref<!tpu.dma_semaphore, #tpu.memory_space<semaphore_mem>>
      tpu.wait_indirect_dma semaphore(%dma_wait3A_250 : memref<!tpu.dma_semaphore, #tpu.memory_space<semaphore_mem>>) src(%dma_wait3A_248 : memref<10000x128xf32, #tpu.memory_space<hbm>>) dst(%dma_wait3A_242 : memref<125x128xf32, #tpu.memory_space<vmem>>)
      %run_scoped3A_251 = arith.constant 1 : i32
      %run_scoped3A_252 = arith.constant 3 : i32
      "tpu.region"() ({
        %run_scoped3A_647 = tpu.sem_alloc : memref<!tpu.dma_semaphore, #tpu.memory_space<semaphore_mem>>
        %dma_start3A_648 = arith.constant 0 : i32
        %dma_start3A_649 = arith.constant 0 : i32
        %dma_start3A_650 = tpu.memref_slice %arg10[%run_scoped3A_251, %dma_start3A_648, %dma_start3A_649] : memref<2x128x128xf32, #tpu.memory_space<vmem>> -> memref<1x125x128xf32, #tpu.memory_space<vmem>>
        %dma_start3A_651 = tpu.memref_squeeze %dma_start3A_650 : memref<1x125x128xf32, #tpu.memory_space<vmem>> -> memref<125x128xf32, #tpu.memory_space<vmem>>
        %dma_start3A_652 = arith.constant 0 : i32
        %dma_start3A_653 = tpu.memref_slice %arg9[%rem3A_136, %run_scoped3A_252, %dma_start3A_652] : memref<2x16x125xi32, #tpu.memory_space<vmem>> -> memref<1x1x125xi32, #tpu.memory_space<vmem>>
        %dma_start3A_654 = tpu.memref_squeeze %dma_start3A_653 : memref<1x1x125xi32, #tpu.memory_space<vmem>> -> memref<125xi32, #tpu.memory_space<vmem>>
        %dma_start3A_655 = arith.constant 0 : i32
        %dma_start3A_656 = arith.constant 0 : i32
        %dma_start3A_657 = tpu.memref_slice %arg7[%dma_start3A_655, %dma_start3A_656] : memref<10240x128xf32, #tpu.memory_space<vmem_shared>> -> memref<10240x128xf32, #tpu.memory_space<vmem_shared>>
        tpu.enqueue_indirect_dma source(%dma_start3A_651 : memref<125x128xf32, #tpu.memory_space<vmem>>) target(%dma_start3A_657 : memref<10240x128xf32, #tpu.memory_space<vmem_shared>>) offsets(%dma_start3A_654 : memref<125xi32, #tpu.memory_space<vmem>>) semaphore(%run_scoped3A_647 : memref<!tpu.dma_semaphore, #tpu.memory_space<semaphore_mem>>) {add = true}
        %dma_wait3A_658 = arith.constant 0 : i32
        %dma_wait3A_659 = arith.constant 0 : i32
        %dma_wait3A_660 = tpu.memref_slice %arg10[%run_scoped3A_251, %dma_wait3A_658, %dma_wait3A_659] : memref<2x128x128xf32, #tpu.memory_space<vmem>> -> memref<1x125x128xf32, #tpu.memory_space<vmem>>
        %dma_wait3A_661 = tpu.memref_squeeze %dma_wait3A_660 : memref<1x125x128xf32, #tpu.memory_space<vmem>> -> memref<125x128xf32, #tpu.memory_space<vmem>>
        %dma_wait3A_662 = arith.constant 0 : i32
        %dma_wait3A_663 = tpu.memref_slice %arg9[%rem3A_136, %run_scoped3A_252, %dma_wait3A_662] : memref<2x16x125xi32, #tpu.memory_space<vmem>> -> memref<1x1x125xi32, #tpu.memory_space<vmem>>
        %dma_wait3A_664 = tpu.memref_squeeze %dma_wait3A_663 : memref<1x1x125xi32, #tpu.memory_space<vmem>> -> memref<125xi32, #tpu.memory_space<vmem>>
        %dma_wait3A_665 = arith.constant 0 : i32
        %dma_wait3A_666 = arith.constant 0 : i32
        %dma_wait3A_667 = tpu.memref_slice %arg7[%dma_wait3A_665, %dma_wait3A_666] : memref<10240x128xf32, #tpu.memory_space<vmem_shared>> -> memref<10240x128xf32, #tpu.memory_space<vmem_shared>>
        tpu.wait_indirect_dma semaphore(%run_scoped3A_647 : memref<!tpu.dma_semaphore, #tpu.memory_space<semaphore_mem>>) src(%dma_wait3A_661 : memref<125x128xf32, #tpu.memory_space<vmem>>) dst(%dma_wait3A_667 : memref<10240x128xf32, #tpu.memory_space<vmem_shared>>)
        tpu.yield
      }) : () -> ()
      %dma_start3A_253 = arith.constant 5 : i32
      %dma_start3A_254 = arith.constant 1 : i32
      %dma_start3A_255 = arith.constant 1 : i32
      %dma_start3A_256 = arith.constant 0 : i32
      %dma_start3A_257 = arith.constant 0 : i32
      %dma_start3A_258 = tpu.memref_slice %arg10[%dma_start3A_254, %dma_start3A_256, %dma_start3A_257] : memref<2x128x128xf32, #tpu.memory_space<vmem>> -> memref<1x125x128xf32, #tpu.memory_space<vmem>>
      %dma_start3A_259 = tpu.memref_squeeze %dma_start3A_258 : memref<1x125x128xf32, #tpu.memory_space<vmem>> -> memref<125x128xf32, #tpu.memory_space<vmem>>
      %dma_start3A_260 = arith.constant 0 : i32
      %dma_start3A_261 = tpu.memref_slice %arg8[%rem3A_136, %dma_start3A_253, %dma_start3A_260] : memref<2x16x125xi32, #tpu.memory_space<vmem>> -> memref<1x1x125xi32, #tpu.memory_space<vmem>>
      %dma_start3A_262 = tpu.memref_squeeze %dma_start3A_261 : memref<1x1x125xi32, #tpu.memory_space<vmem>> -> memref<125xi32, #tpu.memory_space<vmem>>
      %dma_start3A_263 = arith.constant 0 : i32
      %dma_start3A_264 = arith.constant 0 : i32
      %dma_start3A_265 = tpu.memref_slice %arg2[%dma_start3A_263, %dma_start3A_264] : memref<10000x128xf32, #tpu.memory_space<hbm>> -> memref<10000x128xf32, #tpu.memory_space<hbm>>
      %dma_start3A_266 = tpu.memref_slice %arg11[%dma_start3A_255] : memref<2x!tpu.dma_semaphore, #tpu.memory_space<semaphore_mem>> -> memref<1x!tpu.dma_semaphore, #tpu.memory_space<semaphore_mem>>
      %dma_start3A_267 = tpu.memref_squeeze %dma_start3A_266 : memref<1x!tpu.dma_semaphore, #tpu.memory_space<semaphore_mem>> -> memref<!tpu.dma_semaphore, #tpu.memory_space<semaphore_mem>>
      tpu.enqueue_indirect_dma source(%dma_start3A_265 : memref<10000x128xf32, #tpu.memory_space<hbm>>) target(%dma_start3A_259 : memref<125x128xf32, #tpu.memory_space<vmem>>) offsets(%dma_start3A_262 : memref<125xi32, #tpu.memory_space<vmem>>) semaphore(%dma_start3A_267 : memref<!tpu.dma_semaphore, #tpu.memory_space<semaphore_mem>>)
      %dma_wait3A_268 = arith.constant 4 : i32
      %dma_wait3A_269 = arith.constant 0 : i32
      %dma_wait3A_270 = arith.constant 0 : i32
      %dma_wait3A_271 = arith.constant 0 : i32
      %dma_wait3A_272 = arith.constant 0 : i32
      %dma_wait3A_273 = tpu.memref_slice %arg10[%dma_wait3A_269, %dma_wait3A_271, %dma_wait3A_272] : memref<2x128x128xf32, #tpu.memory_space<vmem>> -> memref<1x125x128xf32, #tpu.memory_space<vmem>>
      %dma_wait3A_274 = tpu.memref_squeeze %dma_wait3A_273 : memref<1x125x128xf32, #tpu.memory_space<vmem>> -> memref<125x128xf32, #tpu.memory_space<vmem>>
      %dma_wait3A_275 = arith.constant 0 : i32
      %dma_wait3A_276 = tpu.memref_slice %arg8[%rem3A_136, %dma_wait3A_268, %dma_wait3A_275] : memref<2x16x125xi32, #tpu.memory_space<vmem>> -> memref<1x1x125xi32, #tpu.memory_space<vmem>>
      %dma_wait3A_277 = tpu.memref_squeeze %dma_wait3A_276 : memref<1x1x125xi32, #tpu.memory_space<vmem>> -> memref<125xi32, #tpu.memory_space<vmem>>
      %dma_wait3A_278 = arith.constant 0 : i32
      %dma_wait3A_279 = arith.constant 0 : i32
      %dma_wait3A_280 = tpu.memref_slice %arg2[%dma_wait3A_278, %dma_wait3A_279] : memref<10000x128xf32, #tpu.memory_space<hbm>> -> memref<10000x128xf32, #tpu.memory_space<hbm>>
      %dma_wait3A_281 = tpu.memref_slice %arg11[%dma_wait3A_270] : memref<2x!tpu.dma_semaphore, #tpu.memory_space<semaphore_mem>> -> memref<1x!tpu.dma_semaphore, #tpu.memory_space<semaphore_mem>>
      %dma_wait3A_282 = tpu.memref_squeeze %dma_wait3A_281 : memref<1x!tpu.dma_semaphore, #tpu.memory_space<semaphore_mem>> -> memref<!tpu.dma_semaphore, #tpu.memory_space<semaphore_mem>>
      tpu.wait_indirect_dma semaphore(%dma_wait3A_282 : memref<!tpu.dma_semaphore, #tpu.memory_space<semaphore_mem>>) src(%dma_wait3A_280 : memref<10000x128xf32, #tpu.memory_space<hbm>>) dst(%dma_wait3A_274 : memref<125x128xf32, #tpu.memory_space<vmem>>)
      %run_scoped3A_283 = arith.constant 0 : i32
      %run_scoped3A_284 = arith.constant 4 : i32
      "tpu.region"() ({
        %run_scoped3A_647 = tpu.sem_alloc : memref<!tpu.dma_semaphore, #tpu.memory_space<semaphore_mem>>
        %dma_start3A_648 = arith.constant 0 : i32
        %dma_start3A_649 = arith.constant 0 : i32
        %dma_start3A_650 = tpu.memref_slice %arg10[%run_scoped3A_283, %dma_start3A_648, %dma_start3A_649] : memref<2x128x128xf32, #tpu.memory_space<vmem>> -> memref<1x125x128xf32, #tpu.memory_space<vmem>>
        %dma_start3A_651 = tpu.memref_squeeze %dma_start3A_650 : memref<1x125x128xf32, #tpu.memory_space<vmem>> -> memref<125x128xf32, #tpu.memory_space<vmem>>
        %dma_start3A_652 = arith.constant 0 : i32
        %dma_start3A_653 = tpu.memref_slice %arg9[%rem3A_136, %run_scoped3A_284, %dma_start3A_652] : memref<2x16x125xi32, #tpu.memory_space<vmem>> -> memref<1x1x125xi32, #tpu.memory_space<vmem>>
        %dma_start3A_654 = tpu.memref_squeeze %dma_start3A_653 : memref<1x1x125xi32, #tpu.memory_space<vmem>> -> memref<125xi32, #tpu.memory_space<vmem>>
        %dma_start3A_655 = arith.constant 0 : i32
        %dma_start3A_656 = arith.constant 0 : i32
        %dma_start3A_657 = tpu.memref_slice %arg7[%dma_start3A_655, %dma_start3A_656] : memref<10240x128xf32, #tpu.memory_space<vmem_shared>> -> memref<10240x128xf32, #tpu.memory_space<vmem_shared>>
        tpu.enqueue_indirect_dma source(%dma_start3A_651 : memref<125x128xf32, #tpu.memory_space<vmem>>) target(%dma_start3A_657 : memref<10240x128xf32, #tpu.memory_space<vmem_shared>>) offsets(%dma_start3A_654 : memref<125xi32, #tpu.memory_space<vmem>>) semaphore(%run_scoped3A_647 : memref<!tpu.dma_semaphore, #tpu.memory_space<semaphore_mem>>) {add = true}
        %dma_wait3A_658 = arith.constant 0 : i32
        %dma_wait3A_659 = arith.constant 0 : i32
        %dma_wait3A_660 = tpu.memref_slice %arg10[%run_scoped3A_283, %dma_wait3A_658, %dma_wait3A_659] : memref<2x128x128xf32, #tpu.memory_space<vmem>> -> memref<1x125x128xf32, #tpu.memory_space<vmem>>
        %dma_wait3A_661 = tpu.memref_squeeze %dma_wait3A_660 : memref<1x125x128xf32, #tpu.memory_space<vmem>> -> memref<125x128xf32, #tpu.memory_space<vmem>>
        %dma_wait3A_662 = arith.constant 0 : i32
        %dma_wait3A_663 = tpu.memref_slice %arg9[%rem3A_136, %run_scoped3A_284, %dma_wait3A_662] : memref<2x16x125xi32, #tpu.memory_space<vmem>> -> memref<1x1x125xi32, #tpu.memory_space<vmem>>
        %dma_wait3A_664 = tpu.memref_squeeze %dma_wait3A_663 : memref<1x1x125xi32, #tpu.memory_space<vmem>> -> memref<125xi32, #tpu.memory_space<vmem>>
        %dma_wait3A_665 = arith.constant 0 : i32
        %dma_wait3A_666 = arith.constant 0 : i32
        %dma_wait3A_667 = tpu.memref_slice %arg7[%dma_wait3A_665, %dma_wait3A_666] : memref<10240x128xf32, #tpu.memory_space<vmem_shared>> -> memref<10240x128xf32, #tpu.memory_space<vmem_shared>>
        tpu.wait_indirect_dma semaphore(%run_scoped3A_647 : memref<!tpu.dma_semaphore, #tpu.memory_space<semaphore_mem>>) src(%dma_wait3A_661 : memref<125x128xf32, #tpu.memory_space<vmem>>) dst(%dma_wait3A_667 : memref<10240x128xf32, #tpu.memory_space<vmem_shared>>)
        tpu.yield
      }) : () -> ()
      %dma_start3A_285 = arith.constant 6 : i32
      %dma_start3A_286 = arith.constant 0 : i32
      %dma_start3A_287 = arith.constant 0 : i32
      %dma_start3A_288 = arith.constant 0 : i32
      %dma_start3A_289 = arith.constant 0 : i32
      %dma_start3A_290 = tpu.memref_slice %arg10[%dma_start3A_286, %dma_start3A_288, %dma_start3A_289] : memref<2x128x128xf32, #tpu.memory_space<vmem>> -> memref<1x125x128xf32, #tpu.memory_space<vmem>>
      %dma_start3A_291 = tpu.memref_squeeze %dma_start3A_290 : memref<1x125x128xf32, #tpu.memory_space<vmem>> -> memref<125x128xf32, #tpu.memory_space<vmem>>
      %dma_start3A_292 = arith.constant 0 : i32
      %dma_start3A_293 = tpu.memref_slice %arg8[%rem3A_136, %dma_start3A_285, %dma_start3A_292] : memref<2x16x125xi32, #tpu.memory_space<vmem>> -> memref<1x1x125xi32, #tpu.memory_space<vmem>>
      %dma_start3A_294 = tpu.memref_squeeze %dma_start3A_293 : memref<1x1x125xi32, #tpu.memory_space<vmem>> -> memref<125xi32, #tpu.memory_space<vmem>>
      %dma_start3A_295 = arith.constant 0 : i32
      %dma_start3A_296 = arith.constant 0 : i32
      %dma_start3A_297 = tpu.memref_slice %arg2[%dma_start3A_295, %dma_start3A_296] : memref<10000x128xf32, #tpu.memory_space<hbm>> -> memref<10000x128xf32, #tpu.memory_space<hbm>>
      %dma_start3A_298 = tpu.memref_slice %arg11[%dma_start3A_287] : memref<2x!tpu.dma_semaphore, #tpu.memory_space<semaphore_mem>> -> memref<1x!tpu.dma_semaphore, #tpu.memory_space<semaphore_mem>>
      %dma_start3A_299 = tpu.memref_squeeze %dma_start3A_298 : memref<1x!tpu.dma_semaphore, #tpu.memory_space<semaphore_mem>> -> memref<!tpu.dma_semaphore, #tpu.memory_space<semaphore_mem>>
      tpu.enqueue_indirect_dma source(%dma_start3A_297 : memref<10000x128xf32, #tpu.memory_space<hbm>>) target(%dma_start3A_291 : memref<125x128xf32, #tpu.memory_space<vmem>>) offsets(%dma_start3A_294 : memref<125xi32, #tpu.memory_space<vmem>>) semaphore(%dma_start3A_299 : memref<!tpu.dma_semaphore, #tpu.memory_space<semaphore_mem>>)
      %dma_wait3A_300 = arith.constant 5 : i32
      %dma_wait3A_301 = arith.constant 1 : i32
      %dma_wait3A_302 = arith.constant 1 : i32
      %dma_wait3A_303 = arith.constant 0 : i32
      %dma_wait3A_304 = arith.constant 0 : i32
      %dma_wait3A_305 = tpu.memref_slice %arg10[%dma_wait3A_301, %dma_wait3A_303, %dma_wait3A_304] : memref<2x128x128xf32, #tpu.memory_space<vmem>> -> memref<1x125x128xf32, #tpu.memory_space<vmem>>
      %dma_wait3A_306 = tpu.memref_squeeze %dma_wait3A_305 : memref<1x125x128xf32, #tpu.memory_space<vmem>> -> memref<125x128xf32, #tpu.memory_space<vmem>>
      %dma_wait3A_307 = arith.constant 0 : i32
      %dma_wait3A_308 = tpu.memref_slice %arg8[%rem3A_136, %dma_wait3A_300, %dma_wait3A_307] : memref<2x16x125xi32, #tpu.memory_space<vmem>> -> memref<1x1x125xi32, #tpu.memory_space<vmem>>
      %dma_wait3A_309 = tpu.memref_squeeze %dma_wait3A_308 : memref<1x1x125xi32, #tpu.memory_space<vmem>> -> memref<125xi32, #tpu.memory_space<vmem>>
      %dma_wait3A_310 = arith.constant 0 : i32
      %dma_wait3A_311 = arith.constant 0 : i32
      %dma_wait3A_312 = tpu.memref_slice %arg2[%dma_wait3A_310, %dma_wait3A_311] : memref<10000x128xf32, #tpu.memory_space<hbm>> -> memref<10000x128xf32, #tpu.memory_space<hbm>>
      %dma_wait3A_313 = tpu.memref_slice %arg11[%dma_wait3A_302] : memref<2x!tpu.dma_semaphore, #tpu.memory_space<semaphore_mem>> -> memref<1x!tpu.dma_semaphore, #tpu.memory_space<semaphore_mem>>
      %dma_wait3A_314 = tpu.memref_squeeze %dma_wait3A_313 : memref<1x!tpu.dma_semaphore, #tpu.memory_space<semaphore_mem>> -> memref<!tpu.dma_semaphore, #tpu.memory_space<semaphore_mem>>
      tpu.wait_indirect_dma semaphore(%dma_wait3A_314 : memref<!tpu.dma_semaphore, #tpu.memory_space<semaphore_mem>>) src(%dma_wait3A_312 : memref<10000x128xf32, #tpu.memory_space<hbm>>) dst(%dma_wait3A_306 : memref<125x128xf32, #tpu.memory_space<vmem>>)
      %run_scoped3A_315 = arith.constant 1 : i32
      %run_scoped3A_316 = arith.constant 5 : i32
      "tpu.region"() ({
        %run_scoped3A_647 = tpu.sem_alloc : memref<!tpu.dma_semaphore, #tpu.memory_space<semaphore_mem>>
        %dma_start3A_648 = arith.constant 0 : i32
        %dma_start3A_649 = arith.constant 0 : i32
        %dma_start3A_650 = tpu.memref_slice %arg10[%run_scoped3A_315, %dma_start3A_648, %dma_start3A_649] : memref<2x128x128xf32, #tpu.memory_space<vmem>> -> memref<1x125x128xf32, #tpu.memory_space<vmem>>
        %dma_start3A_651 = tpu.memref_squeeze %dma_start3A_650 : memref<1x125x128xf32, #tpu.memory_space<vmem>> -> memref<125x128xf32, #tpu.memory_space<vmem>>
        %dma_start3A_652 = arith.constant 0 : i32
        %dma_start3A_653 = tpu.memref_slice %arg9[%rem3A_136, %run_scoped3A_316, %dma_start3A_652] : memref<2x16x125xi32, #tpu.memory_space<vmem>> -> memref<1x1x125xi32, #tpu.memory_space<vmem>>
        %dma_start3A_654 = tpu.memref_squeeze %dma_start3A_653 : memref<1x1x125xi32, #tpu.memory_space<vmem>> -> memref<125xi32, #tpu.memory_space<vmem>>
        %dma_start3A_655 = arith.constant 0 : i32
        %dma_start3A_656 = arith.constant 0 : i32
        %dma_start3A_657 = tpu.memref_slice %arg7[%dma_start3A_655, %dma_start3A_656] : memref<10240x128xf32, #tpu.memory_space<vmem_shared>> -> memref<10240x128xf32, #tpu.memory_space<vmem_shared>>
        tpu.enqueue_indirect_dma source(%dma_start3A_651 : memref<125x128xf32, #tpu.memory_space<vmem>>) target(%dma_start3A_657 : memref<10240x128xf32, #tpu.memory_space<vmem_shared>>) offsets(%dma_start3A_654 : memref<125xi32, #tpu.memory_space<vmem>>) semaphore(%run_scoped3A_647 : memref<!tpu.dma_semaphore, #tpu.memory_space<semaphore_mem>>) {add = true}
        %dma_wait3A_658 = arith.constant 0 : i32
        %dma_wait3A_659 = arith.constant 0 : i32
        %dma_wait3A_660 = tpu.memref_slice %arg10[%run_scoped3A_315, %dma_wait3A_658, %dma_wait3A_659] : memref<2x128x128xf32, #tpu.memory_space<vmem>> -> memref<1x125x128xf32, #tpu.memory_space<vmem>>
        %dma_wait3A_661 = tpu.memref_squeeze %dma_wait3A_660 : memref<1x125x128xf32, #tpu.memory_space<vmem>> -> memref<125x128xf32, #tpu.memory_space<vmem>>
        %dma_wait3A_662 = arith.constant 0 : i32
        %dma_wait3A_663 = tpu.memref_slice %arg9[%rem3A_136, %run_scoped3A_316, %dma_wait3A_662] : memref<2x16x125xi32, #tpu.memory_space<vmem>> -> memref<1x1x125xi32, #tpu.memory_space<vmem>>
        %dma_wait3A_664 = tpu.memref_squeeze %dma_wait3A_663 : memref<1x1x125xi32, #tpu.memory_space<vmem>> -> memref<125xi32, #tpu.memory_space<vmem>>
        %dma_wait3A_665 = arith.constant 0 : i32
        %dma_wait3A_666 = arith.constant 0 : i32
        %dma_wait3A_667 = tpu.memref_slice %arg7[%dma_wait3A_665, %dma_wait3A_666] : memref<10240x128xf32, #tpu.memory_space<vmem_shared>> -> memref<10240x128xf32, #tpu.memory_space<vmem_shared>>
        tpu.wait_indirect_dma semaphore(%run_scoped3A_647 : memref<!tpu.dma_semaphore, #tpu.memory_space<semaphore_mem>>) src(%dma_wait3A_661 : memref<125x128xf32, #tpu.memory_space<vmem>>) dst(%dma_wait3A_667 : memref<10240x128xf32, #tpu.memory_space<vmem_shared>>)
        tpu.yield
      }) : () -> ()
      %dma_start3A_317 = arith.constant 7 : i32
      %dma_start3A_318 = arith.constant 1 : i32
      %dma_start3A_319 = arith.constant 1 : i32
      %dma_start3A_320 = arith.constant 0 : i32
      %dma_start3A_321 = arith.constant 0 : i32
      %dma_start3A_322 = tpu.memref_slice %arg10[%dma_start3A_318, %dma_start3A_320, %dma_start3A_321] : memref<2x128x128xf32, #tpu.memory_space<vmem>> -> memref<1x125x128xf32, #tpu.memory_space<vmem>>
      %dma_start3A_323 = tpu.memref_squeeze %dma_start3A_322 : memref<1x125x128xf32, #tpu.memory_space<vmem>> -> memref<125x128xf32, #tpu.memory_space<vmem>>
      %dma_start3A_324 = arith.constant 0 : i32
      %dma_start3A_325 = tpu.memref_slice %arg8[%rem3A_136, %dma_start3A_317, %dma_start3A_324] : memref<2x16x125xi32, #tpu.memory_space<vmem>> -> memref<1x1x125xi32, #tpu.memory_space<vmem>>
      %dma_start3A_326 = tpu.memref_squeeze %dma_start3A_325 : memref<1x1x125xi32, #tpu.memory_space<vmem>> -> memref<125xi32, #tpu.memory_space<vmem>>
      %dma_start3A_327 = arith.constant 0 : i32
      %dma_start3A_328 = arith.constant 0 : i32
      %dma_start3A_329 = tpu.memref_slice %arg2[%dma_start3A_327, %dma_start3A_328] : memref<10000x128xf32, #tpu.memory_space<hbm>> -> memref<10000x128xf32, #tpu.memory_space<hbm>>
      %dma_start3A_330 = tpu.memref_slice %arg11[%dma_start3A_319] : memref<2x!tpu.dma_semaphore, #tpu.memory_space<semaphore_mem>> -> memref<1x!tpu.dma_semaphore, #tpu.memory_space<semaphore_mem>>
      %dma_start3A_331 = tpu.memref_squeeze %dma_start3A_330 : memref<1x!tpu.dma_semaphore, #tpu.memory_space<semaphore_mem>> -> memref<!tpu.dma_semaphore, #tpu.memory_space<semaphore_mem>>
      tpu.enqueue_indirect_dma source(%dma_start3A_329 : memref<10000x128xf32, #tpu.memory_space<hbm>>) target(%dma_start3A_323 : memref<125x128xf32, #tpu.memory_space<vmem>>) offsets(%dma_start3A_326 : memref<125xi32, #tpu.memory_space<vmem>>) semaphore(%dma_start3A_331 : memref<!tpu.dma_semaphore, #tpu.memory_space<semaphore_mem>>)
      %dma_wait3A_332 = arith.constant 6 : i32
      %dma_wait3A_333 = arith.constant 0 : i32
      %dma_wait3A_334 = arith.constant 0 : i32
      %dma_wait3A_335 = arith.constant 0 : i32
      %dma_wait3A_336 = arith.constant 0 : i32
      %dma_wait3A_337 = tpu.memref_slice %arg10[%dma_wait3A_333, %dma_wait3A_335, %dma_wait3A_336] : memref<2x128x128xf32, #tpu.memory_space<vmem>> -> memref<1x125x128xf32, #tpu.memory_space<vmem>>
      %dma_wait3A_338 = tpu.memref_squeeze %dma_wait3A_337 : memref<1x125x128xf32, #tpu.memory_space<vmem>> -> memref<125x128xf32, #tpu.memory_space<vmem>>
      %dma_wait3A_339 = arith.constant 0 : i32
      %dma_wait3A_340 = tpu.memref_slice %arg8[%rem3A_136, %dma_wait3A_332, %dma_wait3A_339] : memref<2x16x125xi32, #tpu.memory_space<vmem>> -> memref<1x1x125xi32, #tpu.memory_space<vmem>>
      %dma_wait3A_341 = tpu.memref_squeeze %dma_wait3A_340 : memref<1x1x125xi32, #tpu.memory_space<vmem>> -> memref<125xi32, #tpu.memory_space<vmem>>
      %dma_wait3A_342 = arith.constant 0 : i32
      %dma_wait3A_343 = arith.constant 0 : i32
      %dma_wait3A_344 = tpu.memref_slice %arg2[%dma_wait3A_342, %dma_wait3A_343] : memref<10000x128xf32, #tpu.memory_space<hbm>> -> memref<10000x128xf32, #tpu.memory_space<hbm>>
      %dma_wait3A_345 = tpu.memref_slice %arg11[%dma_wait3A_334] : memref<2x!tpu.dma_semaphore, #tpu.memory_space<semaphore_mem>> -> memref<1x!tpu.dma_semaphore, #tpu.memory_space<semaphore_mem>>
      %dma_wait3A_346 = tpu.memref_squeeze %dma_wait3A_345 : memref<1x!tpu.dma_semaphore, #tpu.memory_space<semaphore_mem>> -> memref<!tpu.dma_semaphore, #tpu.memory_space<semaphore_mem>>
      tpu.wait_indirect_dma semaphore(%dma_wait3A_346 : memref<!tpu.dma_semaphore, #tpu.memory_space<semaphore_mem>>) src(%dma_wait3A_344 : memref<10000x128xf32, #tpu.memory_space<hbm>>) dst(%dma_wait3A_338 : memref<125x128xf32, #tpu.memory_space<vmem>>)
      %run_scoped3A_347 = arith.constant 0 : i32
      %run_scoped3A_348 = arith.constant 6 : i32
      "tpu.region"() ({
        %run_scoped3A_647 = tpu.sem_alloc : memref<!tpu.dma_semaphore, #tpu.memory_space<semaphore_mem>>
        %dma_start3A_648 = arith.constant 0 : i32
        %dma_start3A_649 = arith.constant 0 : i32
        %dma_start3A_650 = tpu.memref_slice %arg10[%run_scoped3A_347, %dma_start3A_648, %dma_start3A_649] : memref<2x128x128xf32, #tpu.memory_space<vmem>> -> memref<1x125x128xf32, #tpu.memory_space<vmem>>
        %dma_start3A_651 = tpu.memref_squeeze %dma_start3A_650 : memref<1x125x128xf32, #tpu.memory_space<vmem>> -> memref<125x128xf32, #tpu.memory_space<vmem>>
        %dma_start3A_652 = arith.constant 0 : i32
        %dma_start3A_653 = tpu.memref_slice %arg9[%rem3A_136, %run_scoped3A_348, %dma_start3A_652] : memref<2x16x125xi32, #tpu.memory_space<vmem>> -> memref<1x1x125xi32, #tpu.memory_space<vmem>>
        %dma_start3A_654 = tpu.memref_squeeze %dma_start3A_653 : memref<1x1x125xi32, #tpu.memory_space<vmem>> -> memref<125xi32, #tpu.memory_space<vmem>>
        %dma_start3A_655 = arith.constant 0 : i32
        %dma_start3A_656 = arith.constant 0 : i32
        %dma_start3A_657 = tpu.memref_slice %arg7[%dma_start3A_655, %dma_start3A_656] : memref<10240x128xf32, #tpu.memory_space<vmem_shared>> -> memref<10240x128xf32, #tpu.memory_space<vmem_shared>>
        tpu.enqueue_indirect_dma source(%dma_start3A_651 : memref<125x128xf32, #tpu.memory_space<vmem>>) target(%dma_start3A_657 : memref<10240x128xf32, #tpu.memory_space<vmem_shared>>) offsets(%dma_start3A_654 : memref<125xi32, #tpu.memory_space<vmem>>) semaphore(%run_scoped3A_647 : memref<!tpu.dma_semaphore, #tpu.memory_space<semaphore_mem>>) {add = true}
        %dma_wait3A_658 = arith.constant 0 : i32
        %dma_wait3A_659 = arith.constant 0 : i32
        %dma_wait3A_660 = tpu.memref_slice %arg10[%run_scoped3A_347, %dma_wait3A_658, %dma_wait3A_659] : memref<2x128x128xf32, #tpu.memory_space<vmem>> -> memref<1x125x128xf32, #tpu.memory_space<vmem>>
        %dma_wait3A_661 = tpu.memref_squeeze %dma_wait3A_660 : memref<1x125x128xf32, #tpu.memory_space<vmem>> -> memref<125x128xf32, #tpu.memory_space<vmem>>
        %dma_wait3A_662 = arith.constant 0 : i32
        %dma_wait3A_663 = tpu.memref_slice %arg9[%rem3A_136, %run_scoped3A_348, %dma_wait3A_662] : memref<2x16x125xi32, #tpu.memory_space<vmem>> -> memref<1x1x125xi32, #tpu.memory_space<vmem>>
        %dma_wait3A_664 = tpu.memref_squeeze %dma_wait3A_663 : memref<1x1x125xi32, #tpu.memory_space<vmem>> -> memref<125xi32, #tpu.memory_space<vmem>>
        %dma_wait3A_665 = arith.constant 0 : i32
        %dma_wait3A_666 = arith.constant 0 : i32
        %dma_wait3A_667 = tpu.memref_slice %arg7[%dma_wait3A_665, %dma_wait3A_666] : memref<10240x128xf32, #tpu.memory_space<vmem_shared>> -> memref<10240x128xf32, #tpu.memory_space<vmem_shared>>
        tpu.wait_indirect_dma semaphore(%run_scoped3A_647 : memref<!tpu.dma_semaphore, #tpu.memory_space<semaphore_mem>>) src(%dma_wait3A_661 : memref<125x128xf32, #tpu.memory_space<vmem>>) dst(%dma_wait3A_667 : memref<10240x128xf32, #tpu.memory_space<vmem_shared>>)
        tpu.yield
      }) : () -> ()
      %dma_start3A_349 = arith.constant 8 : i32
      %dma_start3A_350 = arith.constant 0 : i32
      %dma_start3A_351 = arith.constant 0 : i32
      %dma_start3A_352 = arith.constant 0 : i32
      %dma_start3A_353 = arith.constant 0 : i32
      %dma_start3A_354 = tpu.memref_slice %arg10[%dma_start3A_350, %dma_start3A_352, %dma_start3A_353] : memref<2x128x128xf32, #tpu.memory_space<vmem>> -> memref<1x125x128xf32, #tpu.memory_space<vmem>>
      %dma_start3A_355 = tpu.memref_squeeze %dma_start3A_354 : memref<1x125x128xf32, #tpu.memory_space<vmem>> -> memref<125x128xf32, #tpu.memory_space<vmem>>
      %dma_start3A_356 = arith.constant 0 : i32
      %dma_start3A_357 = tpu.memref_slice %arg8[%rem3A_136, %dma_start3A_349, %dma_start3A_356] : memref<2x16x125xi32, #tpu.memory_space<vmem>> -> memref<1x1x125xi32, #tpu.memory_space<vmem>>
      %dma_start3A_358 = tpu.memref_squeeze %dma_start3A_357 : memref<1x1x125xi32, #tpu.memory_space<vmem>> -> memref<125xi32, #tpu.memory_space<vmem>>
      %dma_start3A_359 = arith.constant 0 : i32
      %dma_start3A_360 = arith.constant 0 : i32
      %dma_start3A_361 = tpu.memref_slice %arg2[%dma_start3A_359, %dma_start3A_360] : memref<10000x128xf32, #tpu.memory_space<hbm>> -> memref<10000x128xf32, #tpu.memory_space<hbm>>
      %dma_start3A_362 = tpu.memref_slice %arg11[%dma_start3A_351] : memref<2x!tpu.dma_semaphore, #tpu.memory_space<semaphore_mem>> -> memref<1x!tpu.dma_semaphore, #tpu.memory_space<semaphore_mem>>
      %dma_start3A_363 = tpu.memref_squeeze %dma_start3A_362 : memref<1x!tpu.dma_semaphore, #tpu.memory_space<semaphore_mem>> -> memref<!tpu.dma_semaphore, #tpu.memory_space<semaphore_mem>>
      tpu.enqueue_indirect_dma source(%dma_start3A_361 : memref<10000x128xf32, #tpu.memory_space<hbm>>) target(%dma_start3A_355 : memref<125x128xf32, #tpu.memory_space<vmem>>) offsets(%dma_start3A_358 : memref<125xi32, #tpu.memory_space<vmem>>) semaphore(%dma_start3A_363 : memref<!tpu.dma_semaphore, #tpu.memory_space<semaphore_mem>>)
      %dma_wait3A_364 = arith.constant 7 : i32
      %dma_wait3A_365 = arith.constant 1 : i32
      %dma_wait3A_366 = arith.constant 1 : i32
      %dma_wait3A_367 = arith.constant 0 : i32
      %dma_wait3A_368 = arith.constant 0 : i32
      %dma_wait3A_369 = tpu.memref_slice %arg10[%dma_wait3A_365, %dma_wait3A_367, %dma_wait3A_368] : memref<2x128x128xf32, #tpu.memory_space<vmem>> -> memref<1x125x128xf32, #tpu.memory_space<vmem>>
      %dma_wait3A_370 = tpu.memref_squeeze %dma_wait3A_369 : memref<1x125x128xf32, #tpu.memory_space<vmem>> -> memref<125x128xf32, #tpu.memory_space<vmem>>
      %dma_wait3A_371 = arith.constant 0 : i32
      %dma_wait3A_372 = tpu.memref_slice %arg8[%rem3A_136, %dma_wait3A_364, %dma_wait3A_371] : memref<2x16x125xi32, #tpu.memory_space<vmem>> -> memref<1x1x125xi32, #tpu.memory_space<vmem>>
      %dma_wait3A_373 = tpu.memref_squeeze %dma_wait3A_372 : memref<1x1x125xi32, #tpu.memory_space<vmem>> -> memref<125xi32, #tpu.memory_space<vmem>>
      %dma_wait3A_374 = arith.constant 0 : i32
      %dma_wait3A_375 = arith.constant 0 : i32
      %dma_wait3A_376 = tpu.memref_slice %arg2[%dma_wait3A_374, %dma_wait3A_375] : memref<10000x128xf32, #tpu.memory_space<hbm>> -> memref<10000x128xf32, #tpu.memory_space<hbm>>
      %dma_wait3A_377 = tpu.memref_slice %arg11[%dma_wait3A_366] : memref<2x!tpu.dma_semaphore, #tpu.memory_space<semaphore_mem>> -> memref<1x!tpu.dma_semaphore, #tpu.memory_space<semaphore_mem>>
      %dma_wait3A_378 = tpu.memref_squeeze %dma_wait3A_377 : memref<1x!tpu.dma_semaphore, #tpu.memory_space<semaphore_mem>> -> memref<!tpu.dma_semaphore, #tpu.memory_space<semaphore_mem>>
      tpu.wait_indirect_dma semaphore(%dma_wait3A_378 : memref<!tpu.dma_semaphore, #tpu.memory_space<semaphore_mem>>) src(%dma_wait3A_376 : memref<10000x128xf32, #tpu.memory_space<hbm>>) dst(%dma_wait3A_370 : memref<125x128xf32, #tpu.memory_space<vmem>>)
      %run_scoped3A_379 = arith.constant 1 : i32
      %run_scoped3A_380 = arith.constant 7 : i32
      "tpu.region"() ({
        %run_scoped3A_647 = tpu.sem_alloc : memref<!tpu.dma_semaphore, #tpu.memory_space<semaphore_mem>>
        %dma_start3A_648 = arith.constant 0 : i32
        %dma_start3A_649 = arith.constant 0 : i32
        %dma_start3A_650 = tpu.memref_slice %arg10[%run_scoped3A_379, %dma_start3A_648, %dma_start3A_649] : memref<2x128x128xf32, #tpu.memory_space<vmem>> -> memref<1x125x128xf32, #tpu.memory_space<vmem>>
        %dma_start3A_651 = tpu.memref_squeeze %dma_start3A_650 : memref<1x125x128xf32, #tpu.memory_space<vmem>> -> memref<125x128xf32, #tpu.memory_space<vmem>>
        %dma_start3A_652 = arith.constant 0 : i32
        %dma_start3A_653 = tpu.memref_slice %arg9[%rem3A_136, %run_scoped3A_380, %dma_start3A_652] : memref<2x16x125xi32, #tpu.memory_space<vmem>> -> memref<1x1x125xi32, #tpu.memory_space<vmem>>
        %dma_start3A_654 = tpu.memref_squeeze %dma_start3A_653 : memref<1x1x125xi32, #tpu.memory_space<vmem>> -> memref<125xi32, #tpu.memory_space<vmem>>
        %dma_start3A_655 = arith.constant 0 : i32
        %dma_start3A_656 = arith.constant 0 : i32
        %dma_start3A_657 = tpu.memref_slice %arg7[%dma_start3A_655, %dma_start3A_656] : memref<10240x128xf32, #tpu.memory_space<vmem_shared>> -> memref<10240x128xf32, #tpu.memory_space<vmem_shared>>
        tpu.enqueue_indirect_dma source(%dma_start3A_651 : memref<125x128xf32, #tpu.memory_space<vmem>>) target(%dma_start3A_657 : memref<10240x128xf32, #tpu.memory_space<vmem_shared>>) offsets(%dma_start3A_654 : memref<125xi32, #tpu.memory_space<vmem>>) semaphore(%run_scoped3A_647 : memref<!tpu.dma_semaphore, #tpu.memory_space<semaphore_mem>>) {add = true}
        %dma_wait3A_658 = arith.constant 0 : i32
        %dma_wait3A_659 = arith.constant 0 : i32
        %dma_wait3A_660 = tpu.memref_slice %arg10[%run_scoped3A_379, %dma_wait3A_658, %dma_wait3A_659] : memref<2x128x128xf32, #tpu.memory_space<vmem>> -> memref<1x125x128xf32, #tpu.memory_space<vmem>>
        %dma_wait3A_661 = tpu.memref_squeeze %dma_wait3A_660 : memref<1x125x128xf32, #tpu.memory_space<vmem>> -> memref<125x128xf32, #tpu.memory_space<vmem>>
        %dma_wait3A_662 = arith.constant 0 : i32
        %dma_wait3A_663 = tpu.memref_slice %arg9[%rem3A_136, %run_scoped3A_380, %dma_wait3A_662] : memref<2x16x125xi32, #tpu.memory_space<vmem>> -> memref<1x1x125xi32, #tpu.memory_space<vmem>>
        %dma_wait3A_664 = tpu.memref_squeeze %dma_wait3A_663 : memref<1x1x125xi32, #tpu.memory_space<vmem>> -> memref<125xi32, #tpu.memory_space<vmem>>
        %dma_wait3A_665 = arith.constant 0 : i32
        %dma_wait3A_666 = arith.constant 0 : i32
        %dma_wait3A_667 = tpu.memref_slice %arg7[%dma_wait3A_665, %dma_wait3A_666] : memref<10240x128xf32, #tpu.memory_space<vmem_shared>> -> memref<10240x128xf32, #tpu.memory_space<vmem_shared>>
        tpu.wait_indirect_dma semaphore(%run_scoped3A_647 : memref<!tpu.dma_semaphore, #tpu.memory_space<semaphore_mem>>) src(%dma_wait3A_661 : memref<125x128xf32, #tpu.memory_space<vmem>>) dst(%dma_wait3A_667 : memref<10240x128xf32, #tpu.memory_space<vmem_shared>>)
        tpu.yield
      }) : () -> ()
      %dma_start3A_381 = arith.constant 9 : i32
      %dma_start3A_382 = arith.constant 1 : i32
      %dma_start3A_383 = arith.constant 1 : i32
      %dma_start3A_384 = arith.constant 0 : i32
      %dma_start3A_385 = arith.constant 0 : i32
      %dma_start3A_386 = tpu.memref_slice %arg10[%dma_start3A_382, %dma_start3A_384, %dma_start3A_385] : memref<2x128x128xf32, #tpu.memory_space<vmem>> -> memref<1x125x128xf32, #tpu.memory_space<vmem>>
      %dma_start3A_387 = tpu.memref_squeeze %dma_start3A_386 : memref<1x125x128xf32, #tpu.memory_space<vmem>> -> memref<125x128xf32, #tpu.memory_space<vmem>>
      %dma_start3A_388 = arith.constant 0 : i32
      %dma_start3A_389 = tpu.memref_slice %arg8[%rem3A_136, %dma_start3A_381, %dma_start3A_388] : memref<2x16x125xi32, #tpu.memory_space<vmem>> -> memref<1x1x125xi32, #tpu.memory_space<vmem>>
      %dma_start3A_390 = tpu.memref_squeeze %dma_start3A_389 : memref<1x1x125xi32, #tpu.memory_space<vmem>> -> memref<125xi32, #tpu.memory_space<vmem>>
      %dma_start3A_391 = arith.constant 0 : i32
      %dma_start3A_392 = arith.constant 0 : i32
      %dma_start3A_393 = tpu.memref_slice %arg2[%dma_start3A_391, %dma_start3A_392] : memref<10000x128xf32, #tpu.memory_space<hbm>> -> memref<10000x128xf32, #tpu.memory_space<hbm>>
      %dma_start3A_394 = tpu.memref_slice %arg11[%dma_start3A_383] : memref<2x!tpu.dma_semaphore, #tpu.memory_space<semaphore_mem>> -> memref<1x!tpu.dma_semaphore, #tpu.memory_space<semaphore_mem>>
      %dma_start3A_395 = tpu.memref_squeeze %dma_start3A_394 : memref<1x!tpu.dma_semaphore, #tpu.memory_space<semaphore_mem>> -> memref<!tpu.dma_semaphore, #tpu.memory_space<semaphore_mem>>
      tpu.enqueue_indirect_dma source(%dma_start3A_393 : memref<10000x128xf32, #tpu.memory_space<hbm>>) target(%dma_start3A_387 : memref<125x128xf32, #tpu.memory_space<vmem>>) offsets(%dma_start3A_390 : memref<125xi32, #tpu.memory_space<vmem>>) semaphore(%dma_start3A_395 : memref<!tpu.dma_semaphore, #tpu.memory_space<semaphore_mem>>)
      %dma_wait3A_396 = arith.constant 8 : i32
      %dma_wait3A_397 = arith.constant 0 : i32
      %dma_wait3A_398 = arith.constant 0 : i32
      %dma_wait3A_399 = arith.constant 0 : i32
      %dma_wait3A_400 = arith.constant 0 : i32
      %dma_wait3A_401 = tpu.memref_slice %arg10[%dma_wait3A_397, %dma_wait3A_399, %dma_wait3A_400] : memref<2x128x128xf32, #tpu.memory_space<vmem>> -> memref<1x125x128xf32, #tpu.memory_space<vmem>>
      %dma_wait3A_402 = tpu.memref_squeeze %dma_wait3A_401 : memref<1x125x128xf32, #tpu.memory_space<vmem>> -> memref<125x128xf32, #tpu.memory_space<vmem>>
      %dma_wait3A_403 = arith.constant 0 : i32
      %dma_wait3A_404 = tpu.memref_slice %arg8[%rem3A_136, %dma_wait3A_396, %dma_wait3A_403] : memref<2x16x125xi32, #tpu.memory_space<vmem>> -> memref<1x1x125xi32, #tpu.memory_space<vmem>>
      %dma_wait3A_405 = tpu.memref_squeeze %dma_wait3A_404 : memref<1x1x125xi32, #tpu.memory_space<vmem>> -> memref<125xi32, #tpu.memory_space<vmem>>
      %dma_wait3A_406 = arith.constant 0 : i32
      %dma_wait3A_407 = arith.constant 0 : i32
      %dma_wait3A_408 = tpu.memref_slice %arg2[%dma_wait3A_406, %dma_wait3A_407] : memref<10000x128xf32, #tpu.memory_space<hbm>> -> memref<10000x128xf32, #tpu.memory_space<hbm>>
      %dma_wait3A_409 = tpu.memref_slice %arg11[%dma_wait3A_398] : memref<2x!tpu.dma_semaphore, #tpu.memory_space<semaphore_mem>> -> memref<1x!tpu.dma_semaphore, #tpu.memory_space<semaphore_mem>>
      %dma_wait3A_410 = tpu.memref_squeeze %dma_wait3A_409 : memref<1x!tpu.dma_semaphore, #tpu.memory_space<semaphore_mem>> -> memref<!tpu.dma_semaphore, #tpu.memory_space<semaphore_mem>>
      tpu.wait_indirect_dma semaphore(%dma_wait3A_410 : memref<!tpu.dma_semaphore, #tpu.memory_space<semaphore_mem>>) src(%dma_wait3A_408 : memref<10000x128xf32, #tpu.memory_space<hbm>>) dst(%dma_wait3A_402 : memref<125x128xf32, #tpu.memory_space<vmem>>)
      %run_scoped3A_411 = arith.constant 0 : i32
      %run_scoped3A_412 = arith.constant 8 : i32
      "tpu.region"() ({
        %run_scoped3A_647 = tpu.sem_alloc : memref<!tpu.dma_semaphore, #tpu.memory_space<semaphore_mem>>
        %dma_start3A_648 = arith.constant 0 : i32
        %dma_start3A_649 = arith.constant 0 : i32
        %dma_start3A_650 = tpu.memref_slice %arg10[%run_scoped3A_411, %dma_start3A_648, %dma_start3A_649] : memref<2x128x128xf32, #tpu.memory_space<vmem>> -> memref<1x125x128xf32, #tpu.memory_space<vmem>>
        %dma_start3A_651 = tpu.memref_squeeze %dma_start3A_650 : memref<1x125x128xf32, #tpu.memory_space<vmem>> -> memref<125x128xf32, #tpu.memory_space<vmem>>
        %dma_start3A_652 = arith.constant 0 : i32
        %dma_start3A_653 = tpu.memref_slice %arg9[%rem3A_136, %run_scoped3A_412, %dma_start3A_652] : memref<2x16x125xi32, #tpu.memory_space<vmem>> -> memref<1x1x125xi32, #tpu.memory_space<vmem>>
        %dma_start3A_654 = tpu.memref_squeeze %dma_start3A_653 : memref<1x1x125xi32, #tpu.memory_space<vmem>> -> memref<125xi32, #tpu.memory_space<vmem>>
        %dma_start3A_655 = arith.constant 0 : i32
        %dma_start3A_656 = arith.constant 0 : i32
        %dma_start3A_657 = tpu.memref_slice %arg7[%dma_start3A_655, %dma_start3A_656] : memref<10240x128xf32, #tpu.memory_space<vmem_shared>> -> memref<10240x128xf32, #tpu.memory_space<vmem_shared>>
        tpu.enqueue_indirect_dma source(%dma_start3A_651 : memref<125x128xf32, #tpu.memory_space<vmem>>) target(%dma_start3A_657 : memref<10240x128xf32, #tpu.memory_space<vmem_shared>>) offsets(%dma_start3A_654 : memref<125xi32, #tpu.memory_space<vmem>>) semaphore(%run_scoped3A_647 : memref<!tpu.dma_semaphore, #tpu.memory_space<semaphore_mem>>) {add = true}
        %dma_wait3A_658 = arith.constant 0 : i32
        %dma_wait3A_659 = arith.constant 0 : i32
        %dma_wait3A_660 = tpu.memref_slice %arg10[%run_scoped3A_411, %dma_wait3A_658, %dma_wait3A_659] : memref<2x128x128xf32, #tpu.memory_space<vmem>> -> memref<1x125x128xf32, #tpu.memory_space<vmem>>
        %dma_wait3A_661 = tpu.memref_squeeze %dma_wait3A_660 : memref<1x125x128xf32, #tpu.memory_space<vmem>> -> memref<125x128xf32, #tpu.memory_space<vmem>>
        %dma_wait3A_662 = arith.constant 0 : i32
        %dma_wait3A_663 = tpu.memref_slice %arg9[%rem3A_136, %run_scoped3A_412, %dma_wait3A_662] : memref<2x16x125xi32, #tpu.memory_space<vmem>> -> memref<1x1x125xi32, #tpu.memory_space<vmem>>
        %dma_wait3A_664 = tpu.memref_squeeze %dma_wait3A_663 : memref<1x1x125xi32, #tpu.memory_space<vmem>> -> memref<125xi32, #tpu.memory_space<vmem>>
        %dma_wait3A_665 = arith.constant 0 : i32
        %dma_wait3A_666 = arith.constant 0 : i32
        %dma_wait3A_667 = tpu.memref_slice %arg7[%dma_wait3A_665, %dma_wait3A_666] : memref<10240x128xf32, #tpu.memory_space<vmem_shared>> -> memref<10240x128xf32, #tpu.memory_space<vmem_shared>>
        tpu.wait_indirect_dma semaphore(%run_scoped3A_647 : memref<!tpu.dma_semaphore, #tpu.memory_space<semaphore_mem>>) src(%dma_wait3A_661 : memref<125x128xf32, #tpu.memory_space<vmem>>) dst(%dma_wait3A_667 : memref<10240x128xf32, #tpu.memory_space<vmem_shared>>)
        tpu.yield
      }) : () -> ()
      %dma_start3A_413 = arith.constant 10 : i32
      %dma_start3A_414 = arith.constant 0 : i32
      %dma_start3A_415 = arith.constant 0 : i32
      %dma_start3A_416 = arith.constant 0 : i32
      %dma_start3A_417 = arith.constant 0 : i32
      %dma_start3A_418 = tpu.memref_slice %arg10[%dma_start3A_414, %dma_start3A_416, %dma_start3A_417] : memref<2x128x128xf32, #tpu.memory_space<vmem>> -> memref<1x125x128xf32, #tpu.memory_space<vmem>>
      %dma_start3A_419 = tpu.memref_squeeze %dma_start3A_418 : memref<1x125x128xf32, #tpu.memory_space<vmem>> -> memref<125x128xf32, #tpu.memory_space<vmem>>
      %dma_start3A_420 = arith.constant 0 : i32
      %dma_start3A_421 = tpu.memref_slice %arg8[%rem3A_136, %dma_start3A_413, %dma_start3A_420] : memref<2x16x125xi32, #tpu.memory_space<vmem>> -> memref<1x1x125xi32, #tpu.memory_space<vmem>>
      %dma_start3A_422 = tpu.memref_squeeze %dma_start3A_421 : memref<1x1x125xi32, #tpu.memory_space<vmem>> -> memref<125xi32, #tpu.memory_space<vmem>>
      %dma_start3A_423 = arith.constant 0 : i32
      %dma_start3A_424 = arith.constant 0 : i32
      %dma_start3A_425 = tpu.memref_slice %arg2[%dma_start3A_423, %dma_start3A_424] : memref<10000x128xf32, #tpu.memory_space<hbm>> -> memref<10000x128xf32, #tpu.memory_space<hbm>>
      %dma_start3A_426 = tpu.memref_slice %arg11[%dma_start3A_415] : memref<2x!tpu.dma_semaphore, #tpu.memory_space<semaphore_mem>> -> memref<1x!tpu.dma_semaphore, #tpu.memory_space<semaphore_mem>>
      %dma_start3A_427 = tpu.memref_squeeze %dma_start3A_426 : memref<1x!tpu.dma_semaphore, #tpu.memory_space<semaphore_mem>> -> memref<!tpu.dma_semaphore, #tpu.memory_space<semaphore_mem>>
      tpu.enqueue_indirect_dma source(%dma_start3A_425 : memref<10000x128xf32, #tpu.memory_space<hbm>>) target(%dma_start3A_419 : memref<125x128xf32, #tpu.memory_space<vmem>>) offsets(%dma_start3A_422 : memref<125xi32, #tpu.memory_space<vmem>>) semaphore(%dma_start3A_427 : memref<!tpu.dma_semaphore, #tpu.memory_space<semaphore_mem>>)
      %dma_wait3A_428 = arith.constant 9 : i32
      %dma_wait3A_429 = arith.constant 1 : i32
      %dma_wait3A_430 = arith.constant 1 : i32
      %dma_wait3A_431 = arith.constant 0 : i32
      %dma_wait3A_432 = arith.constant 0 : i32
      %dma_wait3A_433 = tpu.memref_slice %arg10[%dma_wait3A_429, %dma_wait3A_431, %dma_wait3A_432] : memref<2x128x128xf32, #tpu.memory_space<vmem>> -> memref<1x125x128xf32, #tpu.memory_space<vmem>>
      %dma_wait3A_434 = tpu.memref_squeeze %dma_wait3A_433 : memref<1x125x128xf32, #tpu.memory_space<vmem>> -> memref<125x128xf32, #tpu.memory_space<vmem>>
      %dma_wait3A_435 = arith.constant 0 : i32
      %dma_wait3A_436 = tpu.memref_slice %arg8[%rem3A_136, %dma_wait3A_428, %dma_wait3A_435] : memref<2x16x125xi32, #tpu.memory_space<vmem>> -> memref<1x1x125xi32, #tpu.memory_space<vmem>>
      %dma_wait3A_437 = tpu.memref_squeeze %dma_wait3A_436 : memref<1x1x125xi32, #tpu.memory_space<vmem>> -> memref<125xi32, #tpu.memory_space<vmem>>
      %dma_wait3A_438 = arith.constant 0 : i32
      %dma_wait3A_439 = arith.constant 0 : i32
      %dma_wait3A_440 = tpu.memref_slice %arg2[%dma_wait3A_438, %dma_wait3A_439] : memref<10000x128xf32, #tpu.memory_space<hbm>> -> memref<10000x128xf32, #tpu.memory_space<hbm>>
      %dma_wait3A_441 = tpu.memref_slice %arg11[%dma_wait3A_430] : memref<2x!tpu.dma_semaphore, #tpu.memory_space<semaphore_mem>> -> memref<1x!tpu.dma_semaphore, #tpu.memory_space<semaphore_mem>>
      %dma_wait3A_442 = tpu.memref_squeeze %dma_wait3A_441 : memref<1x!tpu.dma_semaphore, #tpu.memory_space<semaphore_mem>> -> memref<!tpu.dma_semaphore, #tpu.memory_space<semaphore_mem>>
      tpu.wait_indirect_dma semaphore(%dma_wait3A_442 : memref<!tpu.dma_semaphore, #tpu.memory_space<semaphore_mem>>) src(%dma_wait3A_440 : memref<10000x128xf32, #tpu.memory_space<hbm>>) dst(%dma_wait3A_434 : memref<125x128xf32, #tpu.memory_space<vmem>>)
      %run_scoped3A_443 = arith.constant 1 : i32
      %run_scoped3A_444 = arith.constant 9 : i32
      "tpu.region"() ({
        %run_scoped3A_647 = tpu.sem_alloc : memref<!tpu.dma_semaphore, #tpu.memory_space<semaphore_mem>>
        %dma_start3A_648 = arith.constant 0 : i32
        %dma_start3A_649 = arith.constant 0 : i32
        %dma_start3A_650 = tpu.memref_slice %arg10[%run_scoped3A_443, %dma_start3A_648, %dma_start3A_649] : memref<2x128x128xf32, #tpu.memory_space<vmem>> -> memref<1x125x128xf32, #tpu.memory_space<vmem>>
        %dma_start3A_651 = tpu.memref_squeeze %dma_start3A_650 : memref<1x125x128xf32, #tpu.memory_space<vmem>> -> memref<125x128xf32, #tpu.memory_space<vmem>>
        %dma_start3A_652 = arith.constant 0 : i32
        %dma_start3A_653 = tpu.memref_slice %arg9[%rem3A_136, %run_scoped3A_444, %dma_start3A_652] : memref<2x16x125xi32, #tpu.memory_space<vmem>> -> memref<1x1x125xi32, #tpu.memory_space<vmem>>
        %dma_start3A_654 = tpu.memref_squeeze %dma_start3A_653 : memref<1x1x125xi32, #tpu.memory_space<vmem>> -> memref<125xi32, #tpu.memory_space<vmem>>
        %dma_start3A_655 = arith.constant 0 : i32
        %dma_start3A_656 = arith.constant 0 : i32
        %dma_start3A_657 = tpu.memref_slice %arg7[%dma_start3A_655, %dma_start3A_656] : memref<10240x128xf32, #tpu.memory_space<vmem_shared>> -> memref<10240x128xf32, #tpu.memory_space<vmem_shared>>
        tpu.enqueue_indirect_dma source(%dma_start3A_651 : memref<125x128xf32, #tpu.memory_space<vmem>>) target(%dma_start3A_657 : memref<10240x128xf32, #tpu.memory_space<vmem_shared>>) offsets(%dma_start3A_654 : memref<125xi32, #tpu.memory_space<vmem>>) semaphore(%run_scoped3A_647 : memref<!tpu.dma_semaphore, #tpu.memory_space<semaphore_mem>>) {add = true}
        %dma_wait3A_658 = arith.constant 0 : i32
        %dma_wait3A_659 = arith.constant 0 : i32
        %dma_wait3A_660 = tpu.memref_slice %arg10[%run_scoped3A_443, %dma_wait3A_658, %dma_wait3A_659] : memref<2x128x128xf32, #tpu.memory_space<vmem>> -> memref<1x125x128xf32, #tpu.memory_space<vmem>>
        %dma_wait3A_661 = tpu.memref_squeeze %dma_wait3A_660 : memref<1x125x128xf32, #tpu.memory_space<vmem>> -> memref<125x128xf32, #tpu.memory_space<vmem>>
        %dma_wait3A_662 = arith.constant 0 : i32
        %dma_wait3A_663 = tpu.memref_slice %arg9[%rem3A_136, %run_scoped3A_444, %dma_wait3A_662] : memref<2x16x125xi32, #tpu.memory_space<vmem>> -> memref<1x1x125xi32, #tpu.memory_space<vmem>>
        %dma_wait3A_664 = tpu.memref_squeeze %dma_wait3A_663 : memref<1x1x125xi32, #tpu.memory_space<vmem>> -> memref<125xi32, #tpu.memory_space<vmem>>
        %dma_wait3A_665 = arith.constant 0 : i32
        %dma_wait3A_666 = arith.constant 0 : i32
        %dma_wait3A_667 = tpu.memref_slice %arg7[%dma_wait3A_665, %dma_wait3A_666] : memref<10240x128xf32, #tpu.memory_space<vmem_shared>> -> memref<10240x128xf32, #tpu.memory_space<vmem_shared>>
        tpu.wait_indirect_dma semaphore(%run_scoped3A_647 : memref<!tpu.dma_semaphore, #tpu.memory_space<semaphore_mem>>) src(%dma_wait3A_661 : memref<125x128xf32, #tpu.memory_space<vmem>>) dst(%dma_wait3A_667 : memref<10240x128xf32, #tpu.memory_space<vmem_shared>>)
        tpu.yield
      }) : () -> ()
      %dma_start3A_445 = arith.constant 11 : i32
      %dma_start3A_446 = arith.constant 1 : i32
      %dma_start3A_447 = arith.constant 1 : i32
      %dma_start3A_448 = arith.constant 0 : i32
      %dma_start3A_449 = arith.constant 0 : i32
      %dma_start3A_450 = tpu.memref_slice %arg10[%dma_start3A_446, %dma_start3A_448, %dma_start3A_449] : memref<2x128x128xf32, #tpu.memory_space<vmem>> -> memref<1x125x128xf32, #tpu.memory_space<vmem>>
      %dma_start3A_451 = tpu.memref_squeeze %dma_start3A_450 : memref<1x125x128xf32, #tpu.memory_space<vmem>> -> memref<125x128xf32, #tpu.memory_space<vmem>>
      %dma_start3A_452 = arith.constant 0 : i32
      %dma_start3A_453 = tpu.memref_slice %arg8[%rem3A_136, %dma_start3A_445, %dma_start3A_452] : memref<2x16x125xi32, #tpu.memory_space<vmem>> -> memref<1x1x125xi32, #tpu.memory_space<vmem>>
      %dma_start3A_454 = tpu.memref_squeeze %dma_start3A_453 : memref<1x1x125xi32, #tpu.memory_space<vmem>> -> memref<125xi32, #tpu.memory_space<vmem>>
      %dma_start3A_455 = arith.constant 0 : i32
      %dma_start3A_456 = arith.constant 0 : i32
      %dma_start3A_457 = tpu.memref_slice %arg2[%dma_start3A_455, %dma_start3A_456] : memref<10000x128xf32, #tpu.memory_space<hbm>> -> memref<10000x128xf32, #tpu.memory_space<hbm>>
      %dma_start3A_458 = tpu.memref_slice %arg11[%dma_start3A_447] : memref<2x!tpu.dma_semaphore, #tpu.memory_space<semaphore_mem>> -> memref<1x!tpu.dma_semaphore, #tpu.memory_space<semaphore_mem>>
      %dma_start3A_459 = tpu.memref_squeeze %dma_start3A_458 : memref<1x!tpu.dma_semaphore, #tpu.memory_space<semaphore_mem>> -> memref<!tpu.dma_semaphore, #tpu.memory_space<semaphore_mem>>
      tpu.enqueue_indirect_dma source(%dma_start3A_457 : memref<10000x128xf32, #tpu.memory_space<hbm>>) target(%dma_start3A_451 : memref<125x128xf32, #tpu.memory_space<vmem>>) offsets(%dma_start3A_454 : memref<125xi32, #tpu.memory_space<vmem>>) semaphore(%dma_start3A_459 : memref<!tpu.dma_semaphore, #tpu.memory_space<semaphore_mem>>)
      %dma_wait3A_460 = arith.constant 10 : i32
      %dma_wait3A_461 = arith.constant 0 : i32
      %dma_wait3A_462 = arith.constant 0 : i32
      %dma_wait3A_463 = arith.constant 0 : i32
      %dma_wait3A_464 = arith.constant 0 : i32
      %dma_wait3A_465 = tpu.memref_slice %arg10[%dma_wait3A_461, %dma_wait3A_463, %dma_wait3A_464] : memref<2x128x128xf32, #tpu.memory_space<vmem>> -> memref<1x125x128xf32, #tpu.memory_space<vmem>>
      %dma_wait3A_466 = tpu.memref_squeeze %dma_wait3A_465 : memref<1x125x128xf32, #tpu.memory_space<vmem>> -> memref<125x128xf32, #tpu.memory_space<vmem>>
      %dma_wait3A_467 = arith.constant 0 : i32
      %dma_wait3A_468 = tpu.memref_slice %arg8[%rem3A_136, %dma_wait3A_460, %dma_wait3A_467] : memref<2x16x125xi32, #tpu.memory_space<vmem>> -> memref<1x1x125xi32, #tpu.memory_space<vmem>>
      %dma_wait3A_469 = tpu.memref_squeeze %dma_wait3A_468 : memref<1x1x125xi32, #tpu.memory_space<vmem>> -> memref<125xi32, #tpu.memory_space<vmem>>
      %dma_wait3A_470 = arith.constant 0 : i32
      %dma_wait3A_471 = arith.constant 0 : i32
      %dma_wait3A_472 = tpu.memref_slice %arg2[%dma_wait3A_470, %dma_wait3A_471] : memref<10000x128xf32, #tpu.memory_space<hbm>> -> memref<10000x128xf32, #tpu.memory_space<hbm>>
      %dma_wait3A_473 = tpu.memref_slice %arg11[%dma_wait3A_462] : memref<2x!tpu.dma_semaphore, #tpu.memory_space<semaphore_mem>> -> memref<1x!tpu.dma_semaphore, #tpu.memory_space<semaphore_mem>>
      %dma_wait3A_474 = tpu.memref_squeeze %dma_wait3A_473 : memref<1x!tpu.dma_semaphore, #tpu.memory_space<semaphore_mem>> -> memref<!tpu.dma_semaphore, #tpu.memory_space<semaphore_mem>>
      tpu.wait_indirect_dma semaphore(%dma_wait3A_474 : memref<!tpu.dma_semaphore, #tpu.memory_space<semaphore_mem>>) src(%dma_wait3A_472 : memref<10000x128xf32, #tpu.memory_space<hbm>>) dst(%dma_wait3A_466 : memref<125x128xf32, #tpu.memory_space<vmem>>)
      %run_scoped3A_475 = arith.constant 0 : i32
      %run_scoped3A_476 = arith.constant 10 : i32
      "tpu.region"() ({
        %run_scoped3A_647 = tpu.sem_alloc : memref<!tpu.dma_semaphore, #tpu.memory_space<semaphore_mem>>
        %dma_start3A_648 = arith.constant 0 : i32
        %dma_start3A_649 = arith.constant 0 : i32
        %dma_start3A_650 = tpu.memref_slice %arg10[%run_scoped3A_475, %dma_start3A_648, %dma_start3A_649] : memref<2x128x128xf32, #tpu.memory_space<vmem>> -> memref<1x125x128xf32, #tpu.memory_space<vmem>>
        %dma_start3A_651 = tpu.memref_squeeze %dma_start3A_650 : memref<1x125x128xf32, #tpu.memory_space<vmem>> -> memref<125x128xf32, #tpu.memory_space<vmem>>
        %dma_start3A_652 = arith.constant 0 : i32
        %dma_start3A_653 = tpu.memref_slice %arg9[%rem3A_136, %run_scoped3A_476, %dma_start3A_652] : memref<2x16x125xi32, #tpu.memory_space<vmem>> -> memref<1x1x125xi32, #tpu.memory_space<vmem>>
        %dma_start3A_654 = tpu.memref_squeeze %dma_start3A_653 : memref<1x1x125xi32, #tpu.memory_space<vmem>> -> memref<125xi32, #tpu.memory_space<vmem>>
        %dma_start3A_655 = arith.constant 0 : i32
        %dma_start3A_656 = arith.constant 0 : i32
        %dma_start3A_657 = tpu.memref_slice %arg7[%dma_start3A_655, %dma_start3A_656] : memref<10240x128xf32, #tpu.memory_space<vmem_shared>> -> memref<10240x128xf32, #tpu.memory_space<vmem_shared>>
        tpu.enqueue_indirect_dma source(%dma_start3A_651 : memref<125x128xf32, #tpu.memory_space<vmem>>) target(%dma_start3A_657 : memref<10240x128xf32, #tpu.memory_space<vmem_shared>>) offsets(%dma_start3A_654 : memref<125xi32, #tpu.memory_space<vmem>>) semaphore(%run_scoped3A_647 : memref<!tpu.dma_semaphore, #tpu.memory_space<semaphore_mem>>) {add = true}
        %dma_wait3A_658 = arith.constant 0 : i32
        %dma_wait3A_659 = arith.constant 0 : i32
        %dma_wait3A_660 = tpu.memref_slice %arg10[%run_scoped3A_475, %dma_wait3A_658, %dma_wait3A_659] : memref<2x128x128xf32, #tpu.memory_space<vmem>> -> memref<1x125x128xf32, #tpu.memory_space<vmem>>
        %dma_wait3A_661 = tpu.memref_squeeze %dma_wait3A_660 : memref<1x125x128xf32, #tpu.memory_space<vmem>> -> memref<125x128xf32, #tpu.memory_space<vmem>>
        %dma_wait3A_662 = arith.constant 0 : i32
        %dma_wait3A_663 = tpu.memref_slice %arg9[%rem3A_136, %run_scoped3A_476, %dma_wait3A_662] : memref<2x16x125xi32, #tpu.memory_space<vmem>> -> memref<1x1x125xi32, #tpu.memory_space<vmem>>
        %dma_wait3A_664 = tpu.memref_squeeze %dma_wait3A_663 : memref<1x1x125xi32, #tpu.memory_space<vmem>> -> memref<125xi32, #tpu.memory_space<vmem>>
        %dma_wait3A_665 = arith.constant 0 : i32
        %dma_wait3A_666 = arith.constant 0 : i32
        %dma_wait3A_667 = tpu.memref_slice %arg7[%dma_wait3A_665, %dma_wait3A_666] : memref<10240x128xf32, #tpu.memory_space<vmem_shared>> -> memref<10240x128xf32, #tpu.memory_space<vmem_shared>>
        tpu.wait_indirect_dma semaphore(%run_scoped3A_647 : memref<!tpu.dma_semaphore, #tpu.memory_space<semaphore_mem>>) src(%dma_wait3A_661 : memref<125x128xf32, #tpu.memory_space<vmem>>) dst(%dma_wait3A_667 : memref<10240x128xf32, #tpu.memory_space<vmem_shared>>)
        tpu.yield
      }) : () -> ()
      %dma_start3A_477 = arith.constant 12 : i32
      %dma_start3A_478 = arith.constant 0 : i32
      %dma_start3A_479 = arith.constant 0 : i32
      %dma_start3A_480 = arith.constant 0 : i32
      %dma_start3A_481 = arith.constant 0 : i32
      %dma_start3A_482 = tpu.memref_slice %arg10[%dma_start3A_478, %dma_start3A_480, %dma_start3A_481] : memref<2x128x128xf32, #tpu.memory_space<vmem>> -> memref<1x125x128xf32, #tpu.memory_space<vmem>>
      %dma_start3A_483 = tpu.memref_squeeze %dma_start3A_482 : memref<1x125x128xf32, #tpu.memory_space<vmem>> -> memref<125x128xf32, #tpu.memory_space<vmem>>
      %dma_start3A_484 = arith.constant 0 : i32
      %dma_start3A_485 = tpu.memref_slice %arg8[%rem3A_136, %dma_start3A_477, %dma_start3A_484] : memref<2x16x125xi32, #tpu.memory_space<vmem>> -> memref<1x1x125xi32, #tpu.memory_space<vmem>>
      %dma_start3A_486 = tpu.memref_squeeze %dma_start3A_485 : memref<1x1x125xi32, #tpu.memory_space<vmem>> -> memref<125xi32, #tpu.memory_space<vmem>>
      %dma_start3A_487 = arith.constant 0 : i32
      %dma_start3A_488 = arith.constant 0 : i32
      %dma_start3A_489 = tpu.memref_slice %arg2[%dma_start3A_487, %dma_start3A_488] : memref<10000x128xf32, #tpu.memory_space<hbm>> -> memref<10000x128xf32, #tpu.memory_space<hbm>>
      %dma_start3A_490 = tpu.memref_slice %arg11[%dma_start3A_479] : memref<2x!tpu.dma_semaphore, #tpu.memory_space<semaphore_mem>> -> memref<1x!tpu.dma_semaphore, #tpu.memory_space<semaphore_mem>>
      %dma_start3A_491 = tpu.memref_squeeze %dma_start3A_490 : memref<1x!tpu.dma_semaphore, #tpu.memory_space<semaphore_mem>> -> memref<!tpu.dma_semaphore, #tpu.memory_space<semaphore_mem>>
      tpu.enqueue_indirect_dma source(%dma_start3A_489 : memref<10000x128xf32, #tpu.memory_space<hbm>>) target(%dma_start3A_483 : memref<125x128xf32, #tpu.memory_space<vmem>>) offsets(%dma_start3A_486 : memref<125xi32, #tpu.memory_space<vmem>>) semaphore(%dma_start3A_491 : memref<!tpu.dma_semaphore, #tpu.memory_space<semaphore_mem>>)
      %dma_wait3A_492 = arith.constant 11 : i32
      %dma_wait3A_493 = arith.constant 1 : i32
      %dma_wait3A_494 = arith.constant 1 : i32
      %dma_wait3A_495 = arith.constant 0 : i32
      %dma_wait3A_496 = arith.constant 0 : i32
      %dma_wait3A_497 = tpu.memref_slice %arg10[%dma_wait3A_493, %dma_wait3A_495, %dma_wait3A_496] : memref<2x128x128xf32, #tpu.memory_space<vmem>> -> memref<1x125x128xf32, #tpu.memory_space<vmem>>
      %dma_wait3A_498 = tpu.memref_squeeze %dma_wait3A_497 : memref<1x125x128xf32, #tpu.memory_space<vmem>> -> memref<125x128xf32, #tpu.memory_space<vmem>>
      %dma_wait3A_499 = arith.constant 0 : i32
      %dma_wait3A_500 = tpu.memref_slice %arg8[%rem3A_136, %dma_wait3A_492, %dma_wait3A_499] : memref<2x16x125xi32, #tpu.memory_space<vmem>> -> memref<1x1x125xi32, #tpu.memory_space<vmem>>
      %dma_wait3A_501 = tpu.memref_squeeze %dma_wait3A_500 : memref<1x1x125xi32, #tpu.memory_space<vmem>> -> memref<125xi32, #tpu.memory_space<vmem>>
      %dma_wait3A_502 = arith.constant 0 : i32
      %dma_wait3A_503 = arith.constant 0 : i32
      %dma_wait3A_504 = tpu.memref_slice %arg2[%dma_wait3A_502, %dma_wait3A_503] : memref<10000x128xf32, #tpu.memory_space<hbm>> -> memref<10000x128xf32, #tpu.memory_space<hbm>>
      %dma_wait3A_505 = tpu.memref_slice %arg11[%dma_wait3A_494] : memref<2x!tpu.dma_semaphore, #tpu.memory_space<semaphore_mem>> -> memref<1x!tpu.dma_semaphore, #tpu.memory_space<semaphore_mem>>
      %dma_wait3A_506 = tpu.memref_squeeze %dma_wait3A_505 : memref<1x!tpu.dma_semaphore, #tpu.memory_space<semaphore_mem>> -> memref<!tpu.dma_semaphore, #tpu.memory_space<semaphore_mem>>
      tpu.wait_indirect_dma semaphore(%dma_wait3A_506 : memref<!tpu.dma_semaphore, #tpu.memory_space<semaphore_mem>>) src(%dma_wait3A_504 : memref<10000x128xf32, #tpu.memory_space<hbm>>) dst(%dma_wait3A_498 : memref<125x128xf32, #tpu.memory_space<vmem>>)
      %run_scoped3A_507 = arith.constant 1 : i32
      %run_scoped3A_508 = arith.constant 11 : i32
      "tpu.region"() ({
        %run_scoped3A_647 = tpu.sem_alloc : memref<!tpu.dma_semaphore, #tpu.memory_space<semaphore_mem>>
        %dma_start3A_648 = arith.constant 0 : i32
        %dma_start3A_649 = arith.constant 0 : i32
        %dma_start3A_650 = tpu.memref_slice %arg10[%run_scoped3A_507, %dma_start3A_648, %dma_start3A_649] : memref<2x128x128xf32, #tpu.memory_space<vmem>> -> memref<1x125x128xf32, #tpu.memory_space<vmem>>
        %dma_start3A_651 = tpu.memref_squeeze %dma_start3A_650 : memref<1x125x128xf32, #tpu.memory_space<vmem>> -> memref<125x128xf32, #tpu.memory_space<vmem>>
        %dma_start3A_652 = arith.constant 0 : i32
        %dma_start3A_653 = tpu.memref_slice %arg9[%rem3A_136, %run_scoped3A_508, %dma_start3A_652] : memref<2x16x125xi32, #tpu.memory_space<vmem>> -> memref<1x1x125xi32, #tpu.memory_space<vmem>>
        %dma_start3A_654 = tpu.memref_squeeze %dma_start3A_653 : memref<1x1x125xi32, #tpu.memory_space<vmem>> -> memref<125xi32, #tpu.memory_space<vmem>>
        %dma_start3A_655 = arith.constant 0 : i32
        %dma_start3A_656 = arith.constant 0 : i32
        %dma_start3A_657 = tpu.memref_slice %arg7[%dma_start3A_655, %dma_start3A_656] : memref<10240x128xf32, #tpu.memory_space<vmem_shared>> -> memref<10240x128xf32, #tpu.memory_space<vmem_shared>>
        tpu.enqueue_indirect_dma source(%dma_start3A_651 : memref<125x128xf32, #tpu.memory_space<vmem>>) target(%dma_start3A_657 : memref<10240x128xf32, #tpu.memory_space<vmem_shared>>) offsets(%dma_start3A_654 : memref<125xi32, #tpu.memory_space<vmem>>) semaphore(%run_scoped3A_647 : memref<!tpu.dma_semaphore, #tpu.memory_space<semaphore_mem>>) {add = true}
        %dma_wait3A_658 = arith.constant 0 : i32
        %dma_wait3A_659 = arith.constant 0 : i32
        %dma_wait3A_660 = tpu.memref_slice %arg10[%run_scoped3A_507, %dma_wait3A_658, %dma_wait3A_659] : memref<2x128x128xf32, #tpu.memory_space<vmem>> -> memref<1x125x128xf32, #tpu.memory_space<vmem>>
        %dma_wait3A_661 = tpu.memref_squeeze %dma_wait3A_660 : memref<1x125x128xf32, #tpu.memory_space<vmem>> -> memref<125x128xf32, #tpu.memory_space<vmem>>
        %dma_wait3A_662 = arith.constant 0 : i32
        %dma_wait3A_663 = tpu.memref_slice %arg9[%rem3A_136, %run_scoped3A_508, %dma_wait3A_662] : memref<2x16x125xi32, #tpu.memory_space<vmem>> -> memref<1x1x125xi32, #tpu.memory_space<vmem>>
        %dma_wait3A_664 = tpu.memref_squeeze %dma_wait3A_663 : memref<1x1x125xi32, #tpu.memory_space<vmem>> -> memref<125xi32, #tpu.memory_space<vmem>>
        %dma_wait3A_665 = arith.constant 0 : i32
        %dma_wait3A_666 = arith.constant 0 : i32
        %dma_wait3A_667 = tpu.memref_slice %arg7[%dma_wait3A_665, %dma_wait3A_666] : memref<10240x128xf32, #tpu.memory_space<vmem_shared>> -> memref<10240x128xf32, #tpu.memory_space<vmem_shared>>
        tpu.wait_indirect_dma semaphore(%run_scoped3A_647 : memref<!tpu.dma_semaphore, #tpu.memory_space<semaphore_mem>>) src(%dma_wait3A_661 : memref<125x128xf32, #tpu.memory_space<vmem>>) dst(%dma_wait3A_667 : memref<10240x128xf32, #tpu.memory_space<vmem_shared>>)
        tpu.yield
      }) : () -> ()
      %dma_start3A_509 = arith.constant 13 : i32
      %dma_start3A_510 = arith.constant 1 : i32
      %dma_start3A_511 = arith.constant 1 : i32
      %dma_start3A_512 = arith.constant 0 : i32
      %dma_start3A_513 = arith.constant 0 : i32
      %dma_start3A_514 = tpu.memref_slice %arg10[%dma_start3A_510, %dma_start3A_512, %dma_start3A_513] : memref<2x128x128xf32, #tpu.memory_space<vmem>> -> memref<1x125x128xf32, #tpu.memory_space<vmem>>
      %dma_start3A_515 = tpu.memref_squeeze %dma_start3A_514 : memref<1x125x128xf32, #tpu.memory_space<vmem>> -> memref<125x128xf32, #tpu.memory_space<vmem>>
      %dma_start3A_516 = arith.constant 0 : i32
      %dma_start3A_517 = tpu.memref_slice %arg8[%rem3A_136, %dma_start3A_509, %dma_start3A_516] : memref<2x16x125xi32, #tpu.memory_space<vmem>> -> memref<1x1x125xi32, #tpu.memory_space<vmem>>
      %dma_start3A_518 = tpu.memref_squeeze %dma_start3A_517 : memref<1x1x125xi32, #tpu.memory_space<vmem>> -> memref<125xi32, #tpu.memory_space<vmem>>
      %dma_start3A_519 = arith.constant 0 : i32
      %dma_start3A_520 = arith.constant 0 : i32
      %dma_start3A_521 = tpu.memref_slice %arg2[%dma_start3A_519, %dma_start3A_520] : memref<10000x128xf32, #tpu.memory_space<hbm>> -> memref<10000x128xf32, #tpu.memory_space<hbm>>
      %dma_start3A_522 = tpu.memref_slice %arg11[%dma_start3A_511] : memref<2x!tpu.dma_semaphore, #tpu.memory_space<semaphore_mem>> -> memref<1x!tpu.dma_semaphore, #tpu.memory_space<semaphore_mem>>
      %dma_start3A_523 = tpu.memref_squeeze %dma_start3A_522 : memref<1x!tpu.dma_semaphore, #tpu.memory_space<semaphore_mem>> -> memref<!tpu.dma_semaphore, #tpu.memory_space<semaphore_mem>>
      tpu.enqueue_indirect_dma source(%dma_start3A_521 : memref<10000x128xf32, #tpu.memory_space<hbm>>) target(%dma_start3A_515 : memref<125x128xf32, #tpu.memory_space<vmem>>) offsets(%dma_start3A_518 : memref<125xi32, #tpu.memory_space<vmem>>) semaphore(%dma_start3A_523 : memref<!tpu.dma_semaphore, #tpu.memory_space<semaphore_mem>>)
      %dma_wait3A_524 = arith.constant 12 : i32
      %dma_wait3A_525 = arith.constant 0 : i32
      %dma_wait3A_526 = arith.constant 0 : i32
      %dma_wait3A_527 = arith.constant 0 : i32
      %dma_wait3A_528 = arith.constant 0 : i32
      %dma_wait3A_529 = tpu.memref_slice %arg10[%dma_wait3A_525, %dma_wait3A_527, %dma_wait3A_528] : memref<2x128x128xf32, #tpu.memory_space<vmem>> -> memref<1x125x128xf32, #tpu.memory_space<vmem>>
      %dma_wait3A_530 = tpu.memref_squeeze %dma_wait3A_529 : memref<1x125x128xf32, #tpu.memory_space<vmem>> -> memref<125x128xf32, #tpu.memory_space<vmem>>
      %dma_wait3A_531 = arith.constant 0 : i32
      %dma_wait3A_532 = tpu.memref_slice %arg8[%rem3A_136, %dma_wait3A_524, %dma_wait3A_531] : memref<2x16x125xi32, #tpu.memory_space<vmem>> -> memref<1x1x125xi32, #tpu.memory_space<vmem>>
      %dma_wait3A_533 = tpu.memref_squeeze %dma_wait3A_532 : memref<1x1x125xi32, #tpu.memory_space<vmem>> -> memref<125xi32, #tpu.memory_space<vmem>>
      %dma_wait3A_534 = arith.constant 0 : i32
      %dma_wait3A_535 = arith.constant 0 : i32
      %dma_wait3A_536 = tpu.memref_slice %arg2[%dma_wait3A_534, %dma_wait3A_535] : memref<10000x128xf32, #tpu.memory_space<hbm>> -> memref<10000x128xf32, #tpu.memory_space<hbm>>
      %dma_wait3A_537 = tpu.memref_slice %arg11[%dma_wait3A_526] : memref<2x!tpu.dma_semaphore, #tpu.memory_space<semaphore_mem>> -> memref<1x!tpu.dma_semaphore, #tpu.memory_space<semaphore_mem>>
      %dma_wait3A_538 = tpu.memref_squeeze %dma_wait3A_537 : memref<1x!tpu.dma_semaphore, #tpu.memory_space<semaphore_mem>> -> memref<!tpu.dma_semaphore, #tpu.memory_space<semaphore_mem>>
      tpu.wait_indirect_dma semaphore(%dma_wait3A_538 : memref<!tpu.dma_semaphore, #tpu.memory_space<semaphore_mem>>) src(%dma_wait3A_536 : memref<10000x128xf32, #tpu.memory_space<hbm>>) dst(%dma_wait3A_530 : memref<125x128xf32, #tpu.memory_space<vmem>>)
      %run_scoped3A_539 = arith.constant 0 : i32
      %run_scoped3A_540 = arith.constant 12 : i32
      "tpu.region"() ({
        %run_scoped3A_647 = tpu.sem_alloc : memref<!tpu.dma_semaphore, #tpu.memory_space<semaphore_mem>>
        %dma_start3A_648 = arith.constant 0 : i32
        %dma_start3A_649 = arith.constant 0 : i32
        %dma_start3A_650 = tpu.memref_slice %arg10[%run_scoped3A_539, %dma_start3A_648, %dma_start3A_649] : memref<2x128x128xf32, #tpu.memory_space<vmem>> -> memref<1x125x128xf32, #tpu.memory_space<vmem>>
        %dma_start3A_651 = tpu.memref_squeeze %dma_start3A_650 : memref<1x125x128xf32, #tpu.memory_space<vmem>> -> memref<125x128xf32, #tpu.memory_space<vmem>>
        %dma_start3A_652 = arith.constant 0 : i32
        %dma_start3A_653 = tpu.memref_slice %arg9[%rem3A_136, %run_scoped3A_540, %dma_start3A_652] : memref<2x16x125xi32, #tpu.memory_space<vmem>> -> memref<1x1x125xi32, #tpu.memory_space<vmem>>
        %dma_start3A_654 = tpu.memref_squeeze %dma_start3A_653 : memref<1x1x125xi32, #tpu.memory_space<vmem>> -> memref<125xi32, #tpu.memory_space<vmem>>
        %dma_start3A_655 = arith.constant 0 : i32
        %dma_start3A_656 = arith.constant 0 : i32
        %dma_start3A_657 = tpu.memref_slice %arg7[%dma_start3A_655, %dma_start3A_656] : memref<10240x128xf32, #tpu.memory_space<vmem_shared>> -> memref<10240x128xf32, #tpu.memory_space<vmem_shared>>
        tpu.enqueue_indirect_dma source(%dma_start3A_651 : memref<125x128xf32, #tpu.memory_space<vmem>>) target(%dma_start3A_657 : memref<10240x128xf32, #tpu.memory_space<vmem_shared>>) offsets(%dma_start3A_654 : memref<125xi32, #tpu.memory_space<vmem>>) semaphore(%run_scoped3A_647 : memref<!tpu.dma_semaphore, #tpu.memory_space<semaphore_mem>>) {add = true}
        %dma_wait3A_658 = arith.constant 0 : i32
        %dma_wait3A_659 = arith.constant 0 : i32
        %dma_wait3A_660 = tpu.memref_slice %arg10[%run_scoped3A_539, %dma_wait3A_658, %dma_wait3A_659] : memref<2x128x128xf32, #tpu.memory_space<vmem>> -> memref<1x125x128xf32, #tpu.memory_space<vmem>>
        %dma_wait3A_661 = tpu.memref_squeeze %dma_wait3A_660 : memref<1x125x128xf32, #tpu.memory_space<vmem>> -> memref<125x128xf32, #tpu.memory_space<vmem>>
        %dma_wait3A_662 = arith.constant 0 : i32
        %dma_wait3A_663 = tpu.memref_slice %arg9[%rem3A_136, %run_scoped3A_540, %dma_wait3A_662] : memref<2x16x125xi32, #tpu.memory_space<vmem>> -> memref<1x1x125xi32, #tpu.memory_space<vmem>>
        %dma_wait3A_664 = tpu.memref_squeeze %dma_wait3A_663 : memref<1x1x125xi32, #tpu.memory_space<vmem>> -> memref<125xi32, #tpu.memory_space<vmem>>
        %dma_wait3A_665 = arith.constant 0 : i32
        %dma_wait3A_666 = arith.constant 0 : i32
        %dma_wait3A_667 = tpu.memref_slice %arg7[%dma_wait3A_665, %dma_wait3A_666] : memref<10240x128xf32, #tpu.memory_space<vmem_shared>> -> memref<10240x128xf32, #tpu.memory_space<vmem_shared>>
        tpu.wait_indirect_dma semaphore(%run_scoped3A_647 : memref<!tpu.dma_semaphore, #tpu.memory_space<semaphore_mem>>) src(%dma_wait3A_661 : memref<125x128xf32, #tpu.memory_space<vmem>>) dst(%dma_wait3A_667 : memref<10240x128xf32, #tpu.memory_space<vmem_shared>>)
        tpu.yield
      }) : () -> ()
      %dma_start3A_541 = arith.constant 14 : i32
      %dma_start3A_542 = arith.constant 0 : i32
      %dma_start3A_543 = arith.constant 0 : i32
      %dma_start3A_544 = arith.constant 0 : i32
      %dma_start3A_545 = arith.constant 0 : i32
      %dma_start3A_546 = tpu.memref_slice %arg10[%dma_start3A_542, %dma_start3A_544, %dma_start3A_545] : memref<2x128x128xf32, #tpu.memory_space<vmem>> -> memref<1x125x128xf32, #tpu.memory_space<vmem>>
      %dma_start3A_547 = tpu.memref_squeeze %dma_start3A_546 : memref<1x125x128xf32, #tpu.memory_space<vmem>> -> memref<125x128xf32, #tpu.memory_space<vmem>>
      %dma_start3A_548 = arith.constant 0 : i32
      %dma_start3A_549 = tpu.memref_slice %arg8[%rem3A_136, %dma_start3A_541, %dma_start3A_548] : memref<2x16x125xi32, #tpu.memory_space<vmem>> -> memref<1x1x125xi32, #tpu.memory_space<vmem>>
      %dma_start3A_550 = tpu.memref_squeeze %dma_start3A_549 : memref<1x1x125xi32, #tpu.memory_space<vmem>> -> memref<125xi32, #tpu.memory_space<vmem>>
      %dma_start3A_551 = arith.constant 0 : i32
      %dma_start3A_552 = arith.constant 0 : i32
      %dma_start3A_553 = tpu.memref_slice %arg2[%dma_start3A_551, %dma_start3A_552] : memref<10000x128xf32, #tpu.memory_space<hbm>> -> memref<10000x128xf32, #tpu.memory_space<hbm>>
      %dma_start3A_554 = tpu.memref_slice %arg11[%dma_start3A_543] : memref<2x!tpu.dma_semaphore, #tpu.memory_space<semaphore_mem>> -> memref<1x!tpu.dma_semaphore, #tpu.memory_space<semaphore_mem>>
      %dma_start3A_555 = tpu.memref_squeeze %dma_start3A_554 : memref<1x!tpu.dma_semaphore, #tpu.memory_space<semaphore_mem>> -> memref<!tpu.dma_semaphore, #tpu.memory_space<semaphore_mem>>
      tpu.enqueue_indirect_dma source(%dma_start3A_553 : memref<10000x128xf32, #tpu.memory_space<hbm>>) target(%dma_start3A_547 : memref<125x128xf32, #tpu.memory_space<vmem>>) offsets(%dma_start3A_550 : memref<125xi32, #tpu.memory_space<vmem>>) semaphore(%dma_start3A_555 : memref<!tpu.dma_semaphore, #tpu.memory_space<semaphore_mem>>)
      %dma_wait3A_556 = arith.constant 13 : i32
      %dma_wait3A_557 = arith.constant 1 : i32
      %dma_wait3A_558 = arith.constant 1 : i32
      %dma_wait3A_559 = arith.constant 0 : i32
      %dma_wait3A_560 = arith.constant 0 : i32
      %dma_wait3A_561 = tpu.memref_slice %arg10[%dma_wait3A_557, %dma_wait3A_559, %dma_wait3A_560] : memref<2x128x128xf32, #tpu.memory_space<vmem>> -> memref<1x125x128xf32, #tpu.memory_space<vmem>>
      %dma_wait3A_562 = tpu.memref_squeeze %dma_wait3A_561 : memref<1x125x128xf32, #tpu.memory_space<vmem>> -> memref<125x128xf32, #tpu.memory_space<vmem>>
      %dma_wait3A_563 = arith.constant 0 : i32
      %dma_wait3A_564 = tpu.memref_slice %arg8[%rem3A_136, %dma_wait3A_556, %dma_wait3A_563] : memref<2x16x125xi32, #tpu.memory_space<vmem>> -> memref<1x1x125xi32, #tpu.memory_space<vmem>>
      %dma_wait3A_565 = tpu.memref_squeeze %dma_wait3A_564 : memref<1x1x125xi32, #tpu.memory_space<vmem>> -> memref<125xi32, #tpu.memory_space<vmem>>
      %dma_wait3A_566 = arith.constant 0 : i32
      %dma_wait3A_567 = arith.constant 0 : i32
      %dma_wait3A_568 = tpu.memref_slice %arg2[%dma_wait3A_566, %dma_wait3A_567] : memref<10000x128xf32, #tpu.memory_space<hbm>> -> memref<10000x128xf32, #tpu.memory_space<hbm>>
      %dma_wait3A_569 = tpu.memref_slice %arg11[%dma_wait3A_558] : memref<2x!tpu.dma_semaphore, #tpu.memory_space<semaphore_mem>> -> memref<1x!tpu.dma_semaphore, #tpu.memory_space<semaphore_mem>>
      %dma_wait3A_570 = tpu.memref_squeeze %dma_wait3A_569 : memref<1x!tpu.dma_semaphore, #tpu.memory_space<semaphore_mem>> -> memref<!tpu.dma_semaphore, #tpu.memory_space<semaphore_mem>>
      tpu.wait_indirect_dma semaphore(%dma_wait3A_570 : memref<!tpu.dma_semaphore, #tpu.memory_space<semaphore_mem>>) src(%dma_wait3A_568 : memref<10000x128xf32, #tpu.memory_space<hbm>>) dst(%dma_wait3A_562 : memref<125x128xf32, #tpu.memory_space<vmem>>)
      %run_scoped3A_571 = arith.constant 1 : i32
      %run_scoped3A_572 = arith.constant 13 : i32
      "tpu.region"() ({
        %run_scoped3A_647 = tpu.sem_alloc : memref<!tpu.dma_semaphore, #tpu.memory_space<semaphore_mem>>
        %dma_start3A_648 = arith.constant 0 : i32
        %dma_start3A_649 = arith.constant 0 : i32
        %dma_start3A_650 = tpu.memref_slice %arg10[%run_scoped3A_571, %dma_start3A_648, %dma_start3A_649] : memref<2x128x128xf32, #tpu.memory_space<vmem>> -> memref<1x125x128xf32, #tpu.memory_space<vmem>>
        %dma_start3A_651 = tpu.memref_squeeze %dma_start3A_650 : memref<1x125x128xf32, #tpu.memory_space<vmem>> -> memref<125x128xf32, #tpu.memory_space<vmem>>
        %dma_start3A_652 = arith.constant 0 : i32
        %dma_start3A_653 = tpu.memref_slice %arg9[%rem3A_136, %run_scoped3A_572, %dma_start3A_652] : memref<2x16x125xi32, #tpu.memory_space<vmem>> -> memref<1x1x125xi32, #tpu.memory_space<vmem>>
        %dma_start3A_654 = tpu.memref_squeeze %dma_start3A_653 : memref<1x1x125xi32, #tpu.memory_space<vmem>> -> memref<125xi32, #tpu.memory_space<vmem>>
        %dma_start3A_655 = arith.constant 0 : i32
        %dma_start3A_656 = arith.constant 0 : i32
        %dma_start3A_657 = tpu.memref_slice %arg7[%dma_start3A_655, %dma_start3A_656] : memref<10240x128xf32, #tpu.memory_space<vmem_shared>> -> memref<10240x128xf32, #tpu.memory_space<vmem_shared>>
        tpu.enqueue_indirect_dma source(%dma_start3A_651 : memref<125x128xf32, #tpu.memory_space<vmem>>) target(%dma_start3A_657 : memref<10240x128xf32, #tpu.memory_space<vmem_shared>>) offsets(%dma_start3A_654 : memref<125xi32, #tpu.memory_space<vmem>>) semaphore(%run_scoped3A_647 : memref<!tpu.dma_semaphore, #tpu.memory_space<semaphore_mem>>) {add = true}
        %dma_wait3A_658 = arith.constant 0 : i32
        %dma_wait3A_659 = arith.constant 0 : i32
        %dma_wait3A_660 = tpu.memref_slice %arg10[%run_scoped3A_571, %dma_wait3A_658, %dma_wait3A_659] : memref<2x128x128xf32, #tpu.memory_space<vmem>> -> memref<1x125x128xf32, #tpu.memory_space<vmem>>
        %dma_wait3A_661 = tpu.memref_squeeze %dma_wait3A_660 : memref<1x125x128xf32, #tpu.memory_space<vmem>> -> memref<125x128xf32, #tpu.memory_space<vmem>>
        %dma_wait3A_662 = arith.constant 0 : i32
        %dma_wait3A_663 = tpu.memref_slice %arg9[%rem3A_136, %run_scoped3A_572, %dma_wait3A_662] : memref<2x16x125xi32, #tpu.memory_space<vmem>> -> memref<1x1x125xi32, #tpu.memory_space<vmem>>
        %dma_wait3A_664 = tpu.memref_squeeze %dma_wait3A_663 : memref<1x1x125xi32, #tpu.memory_space<vmem>> -> memref<125xi32, #tpu.memory_space<vmem>>
        %dma_wait3A_665 = arith.constant 0 : i32
        %dma_wait3A_666 = arith.constant 0 : i32
        %dma_wait3A_667 = tpu.memref_slice %arg7[%dma_wait3A_665, %dma_wait3A_666] : memref<10240x128xf32, #tpu.memory_space<vmem_shared>> -> memref<10240x128xf32, #tpu.memory_space<vmem_shared>>
        tpu.wait_indirect_dma semaphore(%run_scoped3A_647 : memref<!tpu.dma_semaphore, #tpu.memory_space<semaphore_mem>>) src(%dma_wait3A_661 : memref<125x128xf32, #tpu.memory_space<vmem>>) dst(%dma_wait3A_667 : memref<10240x128xf32, #tpu.memory_space<vmem_shared>>)
        tpu.yield
      }) : () -> ()
      %add3A_573 = arith.constant 1 : i32
      %add3A_574 = arith.addi %scan3A_135, %add3A_573 : i32
      %lt3A = arith.constant 5 : i32
      %lt3A_575 = arith.cmpi slt, %add3A_574, %lt3A : i32
      %convert_element_type3A = arith.extui %lt3A_575 : i1 to i32
      %cond3A = arith.constant 0 : i32
      %cond3A_576 = arith.cmpi ne, %convert_element_type3A, %cond3A : i32
      scf.if %cond3A_576 {
        %add3A_647 = arith.constant 1 : i32
        %add3A_648 = arith.addi %scan3A_135, %add3A_647 : i32
        %mul3A_649 = arith.constant 16 : i32
        %mul3A_650 = arith.muli %add3A_648, %mul3A_649 : i32
        %add3A_651 = arith.addi %mul3A_4, %mul3A_650 : i32
        %dma_wait3A_652 = arith.constant 0 : i32
        %dma_wait3A_653 = arith.constant 0 : i32
        %dma_wait3A_654 = tpu.memref_slice %arg8[%rem3A_140, %dma_wait3A_652, %dma_wait3A_653] : memref<2x16x125xi32, #tpu.memory_space<vmem>> -> memref<1x16x125xi32, #tpu.memory_space<vmem>>
        %dma_wait3A_655 = tpu.memref_squeeze %dma_wait3A_654 : memref<1x16x125xi32, #tpu.memory_space<vmem>> -> memref<16x125xi32, #tpu.memory_space<vmem>>
        %dma_wait3A_656 = arith.constant 0 : i32
        %dma_wait3A_657 = tpu.memref_slice %arg3[%add3A_651, %dma_wait3A_656] : memref<2560x125xi32, #tpu.memory_space<hbm>> -> memref<16x125xi32, #tpu.memory_space<hbm>>
        %dma_wait3A_658 = arith.constant 0 : i32
        %dma_wait3A_659 = arith.constant 0 : i32
        %dma_wait3A_660 = tpu.memref_slice %arg8[%rem3A_140, %dma_wait3A_658, %dma_wait3A_659] : memref<2x16x125xi32, #tpu.memory_space<vmem>> -> memref<1x16x125xi32, #tpu.memory_space<vmem>>
        %dma_wait3A_661 = tpu.memref_squeeze %dma_wait3A_660 : memref<1x16x125xi32, #tpu.memory_space<vmem>> -> memref<16x125xi32, #tpu.memory_space<vmem>>
        %dma_wait3A_662 = arith.constant 0 : i32
        %dma_wait3A_663 = tpu.memref_slice %arg3[%add3A_651, %dma_wait3A_662] : memref<2560x125xi32, #tpu.memory_space<hbm>> -> memref<16x125xi32, #tpu.memory_space<hbm>>
        tpu.wait_dma2 semaphore(%arg12 : memref<!tpu.dma_semaphore, #tpu.memory_space<semaphore_mem>>) src(%dma_wait3A_663 : memref<16x125xi32, #tpu.memory_space<hbm>>) dst(%dma_wait3A_661 : memref<16x125xi32, #tpu.memory_space<vmem>>)
        %add3A_664 = arith.constant 1 : i32
        %add3A_665 = arith.addi %scan3A_135, %add3A_664 : i32
        %mul3A_666 = arith.constant 16 : i32
        %mul3A_667 = arith.muli %add3A_665, %mul3A_666 : i32
        %add3A_668 = arith.addi %mul3A_4, %mul3A_667 : i32
        %dma_wait3A_669 = arith.constant 0 : i32
        %dma_wait3A_670 = arith.constant 0 : i32
        %dma_wait3A_671 = tpu.memref_slice %arg9[%rem3A_140, %dma_wait3A_669, %dma_wait3A_670] : memref<2x16x125xi32, #tpu.memory_space<vmem>> -> memref<1x16x125xi32, #tpu.memory_space<vmem>>
        %dma_wait3A_672 = tpu.memref_squeeze %dma_wait3A_671 : memref<1x16x125xi32, #tpu.memory_space<vmem>> -> memref<16x125xi32, #tpu.memory_space<vmem>>
        %dma_wait3A_673 = arith.constant 0 : i32
        %dma_wait3A_674 = tpu.memref_slice %arg4[%add3A_668, %dma_wait3A_673] : memref<2560x125xi32, #tpu.memory_space<hbm>> -> memref<16x125xi32, #tpu.memory_space<hbm>>
        %dma_wait3A_675 = arith.constant 0 : i32
        %dma_wait3A_676 = arith.constant 0 : i32
        %dma_wait3A_677 = tpu.memref_slice %arg9[%rem3A_140, %dma_wait3A_675, %dma_wait3A_676] : memref<2x16x125xi32, #tpu.memory_space<vmem>> -> memref<1x16x125xi32, #tpu.memory_space<vmem>>
        %dma_wait3A_678 = tpu.memref_squeeze %dma_wait3A_677 : memref<1x16x125xi32, #tpu.memory_space<vmem>> -> memref<16x125xi32, #tpu.memory_space<vmem>>
        %dma_wait3A_679 = arith.constant 0 : i32
        %dma_wait3A_680 = tpu.memref_slice %arg4[%add3A_668, %dma_wait3A_679] : memref<2560x125xi32, #tpu.memory_space<hbm>> -> memref<16x125xi32, #tpu.memory_space<hbm>>
        tpu.wait_dma2 semaphore(%arg12 : memref<!tpu.dma_semaphore, #tpu.memory_space<semaphore_mem>>) src(%dma_wait3A_680 : memref<16x125xi32, #tpu.memory_space<hbm>>) dst(%dma_wait3A_678 : memref<16x125xi32, #tpu.memory_space<vmem>>)
      } else {
      }
      %dma_start3A_577 = arith.constant 15 : i32
      %dma_start3A_578 = arith.constant 1 : i32
      %dma_start3A_579 = arith.constant 1 : i32
      %dma_start3A_580 = arith.constant 0 : i32
      %dma_start3A_581 = arith.constant 0 : i32
      %dma_start3A_582 = tpu.memref_slice %arg10[%dma_start3A_578, %dma_start3A_580, %dma_start3A_581] : memref<2x128x128xf32, #tpu.memory_space<vmem>> -> memref<1x125x128xf32, #tpu.memory_space<vmem>>
      %dma_start3A_583 = tpu.memref_squeeze %dma_start3A_582 : memref<1x125x128xf32, #tpu.memory_space<vmem>> -> memref<125x128xf32, #tpu.memory_space<vmem>>
      %dma_start3A_584 = arith.constant 0 : i32
      %dma_start3A_585 = tpu.memref_slice %arg8[%rem3A_136, %dma_start3A_577, %dma_start3A_584] : memref<2x16x125xi32, #tpu.memory_space<vmem>> -> memref<1x1x125xi32, #tpu.memory_space<vmem>>
      %dma_start3A_586 = tpu.memref_squeeze %dma_start3A_585 : memref<1x1x125xi32, #tpu.memory_space<vmem>> -> memref<125xi32, #tpu.memory_space<vmem>>
      %dma_start3A_587 = arith.constant 0 : i32
      %dma_start3A_588 = arith.constant 0 : i32
      %dma_start3A_589 = tpu.memref_slice %arg2[%dma_start3A_587, %dma_start3A_588] : memref<10000x128xf32, #tpu.memory_space<hbm>> -> memref<10000x128xf32, #tpu.memory_space<hbm>>
      %dma_start3A_590 = tpu.memref_slice %arg11[%dma_start3A_579] : memref<2x!tpu.dma_semaphore, #tpu.memory_space<semaphore_mem>> -> memref<1x!tpu.dma_semaphore, #tpu.memory_space<semaphore_mem>>
      %dma_start3A_591 = tpu.memref_squeeze %dma_start3A_590 : memref<1x!tpu.dma_semaphore, #tpu.memory_space<semaphore_mem>> -> memref<!tpu.dma_semaphore, #tpu.memory_space<semaphore_mem>>
      tpu.enqueue_indirect_dma source(%dma_start3A_589 : memref<10000x128xf32, #tpu.memory_space<hbm>>) target(%dma_start3A_583 : memref<125x128xf32, #tpu.memory_space<vmem>>) offsets(%dma_start3A_586 : memref<125xi32, #tpu.memory_space<vmem>>) semaphore(%dma_start3A_591 : memref<!tpu.dma_semaphore, #tpu.memory_space<semaphore_mem>>)
      %dma_wait3A_592 = arith.constant 14 : i32
      %dma_wait3A_593 = arith.constant 0 : i32
      %dma_wait3A_594 = arith.constant 0 : i32
      %dma_wait3A_595 = arith.constant 0 : i32
      %dma_wait3A_596 = arith.constant 0 : i32
      %dma_wait3A_597 = tpu.memref_slice %arg10[%dma_wait3A_593, %dma_wait3A_595, %dma_wait3A_596] : memref<2x128x128xf32, #tpu.memory_space<vmem>> -> memref<1x125x128xf32, #tpu.memory_space<vmem>>
      %dma_wait3A_598 = tpu.memref_squeeze %dma_wait3A_597 : memref<1x125x128xf32, #tpu.memory_space<vmem>> -> memref<125x128xf32, #tpu.memory_space<vmem>>
      %dma_wait3A_599 = arith.constant 0 : i32
      %dma_wait3A_600 = tpu.memref_slice %arg8[%rem3A_136, %dma_wait3A_592, %dma_wait3A_599] : memref<2x16x125xi32, #tpu.memory_space<vmem>> -> memref<1x1x125xi32, #tpu.memory_space<vmem>>
      %dma_wait3A_601 = tpu.memref_squeeze %dma_wait3A_600 : memref<1x1x125xi32, #tpu.memory_space<vmem>> -> memref<125xi32, #tpu.memory_space<vmem>>
      %dma_wait3A_602 = arith.constant 0 : i32
      %dma_wait3A_603 = arith.constant 0 : i32
      %dma_wait3A_604 = tpu.memref_slice %arg2[%dma_wait3A_602, %dma_wait3A_603] : memref<10000x128xf32, #tpu.memory_space<hbm>> -> memref<10000x128xf32, #tpu.memory_space<hbm>>
      %dma_wait3A_605 = tpu.memref_slice %arg11[%dma_wait3A_594] : memref<2x!tpu.dma_semaphore, #tpu.memory_space<semaphore_mem>> -> memref<1x!tpu.dma_semaphore, #tpu.memory_space<semaphore_mem>>
      %dma_wait3A_606 = tpu.memref_squeeze %dma_wait3A_605 : memref<1x!tpu.dma_semaphore, #tpu.memory_space<semaphore_mem>> -> memref<!tpu.dma_semaphore, #tpu.memory_space<semaphore_mem>>
      tpu.wait_indirect_dma semaphore(%dma_wait3A_606 : memref<!tpu.dma_semaphore, #tpu.memory_space<semaphore_mem>>) src(%dma_wait3A_604 : memref<10000x128xf32, #tpu.memory_space<hbm>>) dst(%dma_wait3A_598 : memref<125x128xf32, #tpu.memory_space<vmem>>)
      %run_scoped3A_607 = arith.constant 0 : i32
      %run_scoped3A_608 = arith.constant 14 : i32
      "tpu.region"() ({
        %run_scoped3A_647 = tpu.sem_alloc : memref<!tpu.dma_semaphore, #tpu.memory_space<semaphore_mem>>
        %dma_start3A_648 = arith.constant 0 : i32
        %dma_start3A_649 = arith.constant 0 : i32
        %dma_start3A_650 = tpu.memref_slice %arg10[%run_scoped3A_607, %dma_start3A_648, %dma_start3A_649] : memref<2x128x128xf32, #tpu.memory_space<vmem>> -> memref<1x125x128xf32, #tpu.memory_space<vmem>>
        %dma_start3A_651 = tpu.memref_squeeze %dma_start3A_650 : memref<1x125x128xf32, #tpu.memory_space<vmem>> -> memref<125x128xf32, #tpu.memory_space<vmem>>
        %dma_start3A_652 = arith.constant 0 : i32
        %dma_start3A_653 = tpu.memref_slice %arg9[%rem3A_136, %run_scoped3A_608, %dma_start3A_652] : memref<2x16x125xi32, #tpu.memory_space<vmem>> -> memref<1x1x125xi32, #tpu.memory_space<vmem>>
        %dma_start3A_654 = tpu.memref_squeeze %dma_start3A_653 : memref<1x1x125xi32, #tpu.memory_space<vmem>> -> memref<125xi32, #tpu.memory_space<vmem>>
        %dma_start3A_655 = arith.constant 0 : i32
        %dma_start3A_656 = arith.constant 0 : i32
        %dma_start3A_657 = tpu.memref_slice %arg7[%dma_start3A_655, %dma_start3A_656] : memref<10240x128xf32, #tpu.memory_space<vmem_shared>> -> memref<10240x128xf32, #tpu.memory_space<vmem_shared>>
        tpu.enqueue_indirect_dma source(%dma_start3A_651 : memref<125x128xf32, #tpu.memory_space<vmem>>) target(%dma_start3A_657 : memref<10240x128xf32, #tpu.memory_space<vmem_shared>>) offsets(%dma_start3A_654 : memref<125xi32, #tpu.memory_space<vmem>>) semaphore(%run_scoped3A_647 : memref<!tpu.dma_semaphore, #tpu.memory_space<semaphore_mem>>) {add = true}
        %dma_wait3A_658 = arith.constant 0 : i32
        %dma_wait3A_659 = arith.constant 0 : i32
        %dma_wait3A_660 = tpu.memref_slice %arg10[%run_scoped3A_607, %dma_wait3A_658, %dma_wait3A_659] : memref<2x128x128xf32, #tpu.memory_space<vmem>> -> memref<1x125x128xf32, #tpu.memory_space<vmem>>
        %dma_wait3A_661 = tpu.memref_squeeze %dma_wait3A_660 : memref<1x125x128xf32, #tpu.memory_space<vmem>> -> memref<125x128xf32, #tpu.memory_space<vmem>>
        %dma_wait3A_662 = arith.constant 0 : i32
        %dma_wait3A_663 = tpu.memref_slice %arg9[%rem3A_136, %run_scoped3A_608, %dma_wait3A_662] : memref<2x16x125xi32, #tpu.memory_space<vmem>> -> memref<1x1x125xi32, #tpu.memory_space<vmem>>
        %dma_wait3A_664 = tpu.memref_squeeze %dma_wait3A_663 : memref<1x1x125xi32, #tpu.memory_space<vmem>> -> memref<125xi32, #tpu.memory_space<vmem>>
        %dma_wait3A_665 = arith.constant 0 : i32
        %dma_wait3A_666 = arith.constant 0 : i32
        %dma_wait3A_667 = tpu.memref_slice %arg7[%dma_wait3A_665, %dma_wait3A_666] : memref<10240x128xf32, #tpu.memory_space<vmem_shared>> -> memref<10240x128xf32, #tpu.memory_space<vmem_shared>>
        tpu.wait_indirect_dma semaphore(%run_scoped3A_647 : memref<!tpu.dma_semaphore, #tpu.memory_space<semaphore_mem>>) src(%dma_wait3A_661 : memref<125x128xf32, #tpu.memory_space<vmem>>) dst(%dma_wait3A_667 : memref<10240x128xf32, #tpu.memory_space<vmem_shared>>)
        tpu.yield
      }) : () -> ()
      %add3A_609 = arith.constant 1 : i32
      %add3A_610 = arith.addi %scan3A_135, %add3A_609 : i32
      %lt3A_611 = arith.constant 5 : i32
      %lt3A_612 = arith.cmpi slt, %add3A_610, %lt3A_611 : i32
      %convert_element_type3A_613 = arith.extui %lt3A_612 : i1 to i32
      %cond3A_614 = arith.constant 0 : i32
      %cond3A_615 = arith.cmpi ne, %convert_element_type3A_613, %cond3A_614 : i32
      scf.if %cond3A_615 {
        %dma_start3A_647 = arith.constant 0 : i32
        %dma_start3A_648 = arith.constant 0 : i32
        %dma_start3A_649 = arith.constant 0 : i32
        %dma_start3A_650 = arith.constant 0 : i32
        %dma_start3A_651 = arith.constant 0 : i32
        %dma_start3A_652 = tpu.memref_slice %arg10[%dma_start3A_648, %dma_start3A_650, %dma_start3A_651] : memref<2x128x128xf32, #tpu.memory_space<vmem>> -> memref<1x125x128xf32, #tpu.memory_space<vmem>>
        %dma_start3A_653 = tpu.memref_squeeze %dma_start3A_652 : memref<1x125x128xf32, #tpu.memory_space<vmem>> -> memref<125x128xf32, #tpu.memory_space<vmem>>
        %dma_start3A_654 = arith.constant 0 : i32
        %dma_start3A_655 = tpu.memref_slice %arg8[%rem3A_140, %dma_start3A_647, %dma_start3A_654] : memref<2x16x125xi32, #tpu.memory_space<vmem>> -> memref<1x1x125xi32, #tpu.memory_space<vmem>>
        %dma_start3A_656 = tpu.memref_squeeze %dma_start3A_655 : memref<1x1x125xi32, #tpu.memory_space<vmem>> -> memref<125xi32, #tpu.memory_space<vmem>>
        %dma_start3A_657 = arith.constant 0 : i32
        %dma_start3A_658 = arith.constant 0 : i32
        %dma_start3A_659 = tpu.memref_slice %arg2[%dma_start3A_657, %dma_start3A_658] : memref<10000x128xf32, #tpu.memory_space<hbm>> -> memref<10000x128xf32, #tpu.memory_space<hbm>>
        %dma_start3A_660 = tpu.memref_slice %arg11[%dma_start3A_649] : memref<2x!tpu.dma_semaphore, #tpu.memory_space<semaphore_mem>> -> memref<1x!tpu.dma_semaphore, #tpu.memory_space<semaphore_mem>>
        %dma_start3A_661 = tpu.memref_squeeze %dma_start3A_660 : memref<1x!tpu.dma_semaphore, #tpu.memory_space<semaphore_mem>> -> memref<!tpu.dma_semaphore, #tpu.memory_space<semaphore_mem>>
        tpu.enqueue_indirect_dma source(%dma_start3A_659 : memref<10000x128xf32, #tpu.memory_space<hbm>>) target(%dma_start3A_653 : memref<125x128xf32, #tpu.memory_space<vmem>>) offsets(%dma_start3A_656 : memref<125xi32, #tpu.memory_space<vmem>>) semaphore(%dma_start3A_661 : memref<!tpu.dma_semaphore, #tpu.memory_space<semaphore_mem>>)
      } else {
      }
      %dma_wait3A_616 = arith.constant 15 : i32
      %dma_wait3A_617 = arith.constant 1 : i32
      %dma_wait3A_618 = arith.constant 1 : i32
      %dma_wait3A_619 = arith.constant 0 : i32
      %dma_wait3A_620 = arith.constant 0 : i32
      %dma_wait3A_621 = tpu.memref_slice %arg10[%dma_wait3A_617, %dma_wait3A_619, %dma_wait3A_620] : memref<2x128x128xf32, #tpu.memory_space<vmem>> -> memref<1x125x128xf32, #tpu.memory_space<vmem>>
      %dma_wait3A_622 = tpu.memref_squeeze %dma_wait3A_621 : memref<1x125x128xf32, #tpu.memory_space<vmem>> -> memref<125x128xf32, #tpu.memory_space<vmem>>
      %dma_wait3A_623 = arith.constant 0 : i32
      %dma_wait3A_624 = tpu.memref_slice %arg8[%rem3A_136, %dma_wait3A_616, %dma_wait3A_623] : memref<2x16x125xi32, #tpu.memory_space<vmem>> -> memref<1x1x125xi32, #tpu.memory_space<vmem>>
      %dma_wait3A_625 = tpu.memref_squeeze %dma_wait3A_624 : memref<1x1x125xi32, #tpu.memory_space<vmem>> -> memref<125xi32, #tpu.memory_space<vmem>>
      %dma_wait3A_626 = arith.constant 0 : i32
      %dma_wait3A_627 = arith.constant 0 : i32
      %dma_wait3A_628 = tpu.memref_slice %arg2[%dma_wait3A_626, %dma_wait3A_627] : memref<10000x128xf32, #tpu.memory_space<hbm>> -> memref<10000x128xf32, #tpu.memory_space<hbm>>
      %dma_wait3A_629 = tpu.memref_slice %arg11[%dma_wait3A_618] : memref<2x!tpu.dma_semaphore, #tpu.memory_space<semaphore_mem>> -> memref<1x!tpu.dma_semaphore, #tpu.memory_space<semaphore_mem>>
      %dma_wait3A_630 = tpu.memref_squeeze %dma_wait3A_629 : memref<1x!tpu.dma_semaphore, #tpu.memory_space<semaphore_mem>> -> memref<!tpu.dma_semaphore, #tpu.memory_space<semaphore_mem>>
      tpu.wait_indirect_dma semaphore(%dma_wait3A_630 : memref<!tpu.dma_semaphore, #tpu.memory_space<semaphore_mem>>) src(%dma_wait3A_628 : memref<10000x128xf32, #tpu.memory_space<hbm>>) dst(%dma_wait3A_622 : memref<125x128xf32, #tpu.memory_space<vmem>>)
      %run_scoped3A_631 = arith.constant 1 : i32
      %run_scoped3A_632 = arith.constant 15 : i32
      "tpu.region"() ({
        %run_scoped3A_647 = tpu.sem_alloc : memref<!tpu.dma_semaphore, #tpu.memory_space<semaphore_mem>>
        %dma_start3A_648 = arith.constant 0 : i32
        %dma_start3A_649 = arith.constant 0 : i32
        %dma_start3A_650 = tpu.memref_slice %arg10[%run_scoped3A_631, %dma_start3A_648, %dma_start3A_649] : memref<2x128x128xf32, #tpu.memory_space<vmem>> -> memref<1x125x128xf32, #tpu.memory_space<vmem>>
        %dma_start3A_651 = tpu.memref_squeeze %dma_start3A_650 : memref<1x125x128xf32, #tpu.memory_space<vmem>> -> memref<125x128xf32, #tpu.memory_space<vmem>>
        %dma_start3A_652 = arith.constant 0 : i32
        %dma_start3A_653 = tpu.memref_slice %arg9[%rem3A_136, %run_scoped3A_632, %dma_start3A_652] : memref<2x16x125xi32, #tpu.memory_space<vmem>> -> memref<1x1x125xi32, #tpu.memory_space<vmem>>
        %dma_start3A_654 = tpu.memref_squeeze %dma_start3A_653 : memref<1x1x125xi32, #tpu.memory_space<vmem>> -> memref<125xi32, #tpu.memory_space<vmem>>
        %dma_start3A_655 = arith.constant 0 : i32
        %dma_start3A_656 = arith.constant 0 : i32
        %dma_start3A_657 = tpu.memref_slice %arg7[%dma_start3A_655, %dma_start3A_656] : memref<10240x128xf32, #tpu.memory_space<vmem_shared>> -> memref<10240x128xf32, #tpu.memory_space<vmem_shared>>
        tpu.enqueue_indirect_dma source(%dma_start3A_651 : memref<125x128xf32, #tpu.memory_space<vmem>>) target(%dma_start3A_657 : memref<10240x128xf32, #tpu.memory_space<vmem_shared>>) offsets(%dma_start3A_654 : memref<125xi32, #tpu.memory_space<vmem>>) semaphore(%run_scoped3A_647 : memref<!tpu.dma_semaphore, #tpu.memory_space<semaphore_mem>>) {add = true}
        %dma_wait3A_658 = arith.constant 0 : i32
        %dma_wait3A_659 = arith.constant 0 : i32
        %dma_wait3A_660 = tpu.memref_slice %arg10[%run_scoped3A_631, %dma_wait3A_658, %dma_wait3A_659] : memref<2x128x128xf32, #tpu.memory_space<vmem>> -> memref<1x125x128xf32, #tpu.memory_space<vmem>>
        %dma_wait3A_661 = tpu.memref_squeeze %dma_wait3A_660 : memref<1x125x128xf32, #tpu.memory_space<vmem>> -> memref<125x128xf32, #tpu.memory_space<vmem>>
        %dma_wait3A_662 = arith.constant 0 : i32
        %dma_wait3A_663 = tpu.memref_slice %arg9[%rem3A_136, %run_scoped3A_632, %dma_wait3A_662] : memref<2x16x125xi32, #tpu.memory_space<vmem>> -> memref<1x1x125xi32, #tpu.memory_space<vmem>>
        %dma_wait3A_664 = tpu.memref_squeeze %dma_wait3A_663 : memref<1x1x125xi32, #tpu.memory_space<vmem>> -> memref<125xi32, #tpu.memory_space<vmem>>
        %dma_wait3A_665 = arith.constant 0 : i32
        %dma_wait3A_666 = arith.constant 0 : i32
        %dma_wait3A_667 = tpu.memref_slice %arg7[%dma_wait3A_665, %dma_wait3A_666] : memref<10240x128xf32, #tpu.memory_space<vmem_shared>> -> memref<10240x128xf32, #tpu.memory_space<vmem_shared>>
        tpu.wait_indirect_dma semaphore(%run_scoped3A_647 : memref<!tpu.dma_semaphore, #tpu.memory_space<semaphore_mem>>) src(%dma_wait3A_661 : memref<125x128xf32, #tpu.memory_space<vmem>>) dst(%dma_wait3A_667 : memref<10240x128xf32, #tpu.memory_space<vmem_shared>>)
        tpu.yield
      }) : () -> ()
      %add3A_633 = arith.constant 1 : i32
      %add3A_634 = arith.addi %scan3A_135, %add3A_633 : i32
      %lt3A_635 = arith.constant 5 : i32
      %lt3A_636 = arith.cmpi slt, %add3A_634, %lt3A_635 : i32
      %convert_element_type3A_637 = arith.extui %lt3A_636 : i1 to i32
      %cond3A_638 = arith.constant 0 : i32
      %cond3A_639 = arith.cmpi ne, %convert_element_type3A_637, %cond3A_638 : i32
      scf.if %cond3A_639 {
        %dma_start3A_647 = arith.constant 1 : i32
        %dma_start3A_648 = arith.constant 1 : i32
        %dma_start3A_649 = arith.constant 1 : i32
        %dma_start3A_650 = arith.constant 0 : i32
        %dma_start3A_651 = arith.constant 0 : i32
        %dma_start3A_652 = tpu.memref_slice %arg10[%dma_start3A_648, %dma_start3A_650, %dma_start3A_651] : memref<2x128x128xf32, #tpu.memory_space<vmem>> -> memref<1x125x128xf32, #tpu.memory_space<vmem>>
        %dma_start3A_653 = tpu.memref_squeeze %dma_start3A_652 : memref<1x125x128xf32, #tpu.memory_space<vmem>> -> memref<125x128xf32, #tpu.memory_space<vmem>>
        %dma_start3A_654 = arith.constant 0 : i32
        %dma_start3A_655 = tpu.memref_slice %arg8[%rem3A_140, %dma_start3A_647, %dma_start3A_654] : memref<2x16x125xi32, #tpu.memory_space<vmem>> -> memref<1x1x125xi32, #tpu.memory_space<vmem>>
        %dma_start3A_656 = tpu.memref_squeeze %dma_start3A_655 : memref<1x1x125xi32, #tpu.memory_space<vmem>> -> memref<125xi32, #tpu.memory_space<vmem>>
        %dma_start3A_657 = arith.constant 0 : i32
        %dma_start3A_658 = arith.constant 0 : i32
        %dma_start3A_659 = tpu.memref_slice %arg2[%dma_start3A_657, %dma_start3A_658] : memref<10000x128xf32, #tpu.memory_space<hbm>> -> memref<10000x128xf32, #tpu.memory_space<hbm>>
        %dma_start3A_660 = tpu.memref_slice %arg11[%dma_start3A_649] : memref<2x!tpu.dma_semaphore, #tpu.memory_space<semaphore_mem>> -> memref<1x!tpu.dma_semaphore, #tpu.memory_space<semaphore_mem>>
        %dma_start3A_661 = tpu.memref_squeeze %dma_start3A_660 : memref<1x!tpu.dma_semaphore, #tpu.memory_space<semaphore_mem>> -> memref<!tpu.dma_semaphore, #tpu.memory_space<semaphore_mem>>
        tpu.enqueue_indirect_dma source(%dma_start3A_659 : memref<10000x128xf32, #tpu.memory_space<hbm>>) target(%dma_start3A_653 : memref<125x128xf32, #tpu.memory_space<vmem>>) offsets(%dma_start3A_656 : memref<125xi32, #tpu.memory_space<vmem>>) semaphore(%dma_start3A_661 : memref<!tpu.dma_semaphore, #tpu.memory_space<semaphore_mem>>)
      } else {
      }
      %add3A_640 = arith.constant 2 : i32
      %add3A_641 = arith.addi %scan3A_135, %add3A_640 : i32
      %lt3A_642 = arith.constant 5 : i32
      %lt3A_643 = arith.cmpi slt, %add3A_641, %lt3A_642 : i32
      %convert_element_type3A_644 = arith.extui %lt3A_643 : i1 to i32
      %cond3A_645 = arith.constant 0 : i32
      %cond3A_646 = arith.cmpi ne, %convert_element_type3A_644, %cond3A_645 : i32
      scf.if %cond3A_646 {
        %add3A_647 = arith.constant 2 : i32
        %add3A_648 = arith.addi %scan3A_135, %add3A_647 : i32
        %mul3A_649 = arith.constant 16 : i32
        %mul3A_650 = arith.muli %add3A_648, %mul3A_649 : i32
        %add3A_651 = arith.addi %mul3A_4, %mul3A_650 : i32
        %dma_start3A_652 = arith.constant 0 : i32
        %dma_start3A_653 = arith.constant 0 : i32
        %dma_start3A_654 = tpu.memref_slice %arg8[%rem3A_136, %dma_start3A_652, %dma_start3A_653] : memref<2x16x125xi32, #tpu.memory_space<vmem>> -> memref<1x16x125xi32, #tpu.memory_space<vmem>>
        %dma_start3A_655 = tpu.memref_squeeze %dma_start3A_654 : memref<1x16x125xi32, #tpu.memory_space<vmem>> -> memref<16x125xi32, #tpu.memory_space<vmem>>
        %dma_start3A_656 = arith.constant 0 : i32
        %dma_start3A_657 = tpu.memref_slice %arg3[%add3A_651, %dma_start3A_656] : memref<2560x125xi32, #tpu.memory_space<hbm>> -> memref<16x125xi32, #tpu.memory_space<hbm>>
        %dma_start3A_658 = arith.constant 0 : i32
        %dma_start3A_659 = arith.constant 0 : i32
        %dma_start3A_660 = tpu.memref_slice %arg8[%rem3A_136, %dma_start3A_658, %dma_start3A_659] : memref<2x16x125xi32, #tpu.memory_space<vmem>> -> memref<1x16x125xi32, #tpu.memory_space<vmem>>
        %dma_start3A_661 = tpu.memref_squeeze %dma_start3A_660 : memref<1x16x125xi32, #tpu.memory_space<vmem>> -> memref<16x125xi32, #tpu.memory_space<vmem>>
        %dma_start3A_662 = arith.constant 0 : i32
        %dma_start3A_663 = tpu.memref_slice %arg3[%add3A_651, %dma_start3A_662] : memref<2560x125xi32, #tpu.memory_space<hbm>> -> memref<16x125xi32, #tpu.memory_space<hbm>>
        tpu.enqueue_dma source(%dma_start3A_663 : memref<16x125xi32, #tpu.memory_space<hbm>>) target(%dma_start3A_661 : memref<16x125xi32, #tpu.memory_space<vmem>>) target_semaphore(%arg12 : memref<!tpu.dma_semaphore, #tpu.memory_space<semaphore_mem>>)
        %add3A_664 = arith.constant 2 : i32
        %add3A_665 = arith.addi %scan3A_135, %add3A_664 : i32
        %mul3A_666 = arith.constant 16 : i32
        %mul3A_667 = arith.muli %add3A_665, %mul3A_666 : i32
        %add3A_668 = arith.addi %mul3A_4, %mul3A_667 : i32
        %dma_start3A_669 = arith.constant 0 : i32
        %dma_start3A_670 = arith.constant 0 : i32
        %dma_start3A_671 = tpu.memref_slice %arg9[%rem3A_136, %dma_start3A_669, %dma_start3A_670] : memref<2x16x125xi32, #tpu.memory_space<vmem>> -> memref<1x16x125xi32, #tpu.memory_space<vmem>>
        %dma_start3A_672 = tpu.memref_squeeze %dma_start3A_671 : memref<1x16x125xi32, #tpu.memory_space<vmem>> -> memref<16x125xi32, #tpu.memory_space<vmem>>
        %dma_start3A_673 = arith.constant 0 : i32
        %dma_start3A_674 = tpu.memref_slice %arg4[%add3A_668, %dma_start3A_673] : memref<2560x125xi32, #tpu.memory_space<hbm>> -> memref<16x125xi32, #tpu.memory_space<hbm>>
        %dma_start3A_675 = arith.constant 0 : i32
        %dma_start3A_676 = arith.constant 0 : i32
        %dma_start3A_677 = tpu.memref_slice %arg9[%rem3A_136, %dma_start3A_675, %dma_start3A_676] : memref<2x16x125xi32, #tpu.memory_space<vmem>> -> memref<1x16x125xi32, #tpu.memory_space<vmem>>
        %dma_start3A_678 = tpu.memref_squeeze %dma_start3A_677 : memref<1x16x125xi32, #tpu.memory_space<vmem>> -> memref<16x125xi32, #tpu.memory_space<vmem>>
        %dma_start3A_679 = arith.constant 0 : i32
        %dma_start3A_680 = tpu.memref_slice %arg4[%add3A_668, %dma_start3A_679] : memref<2560x125xi32, #tpu.memory_space<hbm>> -> memref<16x125xi32, #tpu.memory_space<hbm>>
        tpu.enqueue_dma source(%dma_start3A_680 : memref<16x125xi32, #tpu.memory_space<hbm>>) target(%dma_start3A_678 : memref<16x125xi32, #tpu.memory_space<vmem>>) target_semaphore(%arg12 : memref<!tpu.dma_semaphore, #tpu.memory_space<semaphore_mem>>)
      } else {
      }
    }
    %scan3A_133 = arith.constant 5 : i32
    %barrier3A_134 = arith.constant 0 : index
    tpu.barrier barrier_id(%barrier3A_134)
    "tpu.region"() ({
      %run_scoped3A = tpu.sem_alloc : memref<!tpu.dma_semaphore, #tpu.memory_space<semaphore_mem>>
      %dma_start3A_135 = arith.constant 0 : i32
      %dma_start3A_136 = tpu.memref_slice %arg6[%arg0, %mul3A_0, %dma_start3A_135] : memref<2x10240x128xf32, #tpu.memory_space<hbm>> -> memref<1x640x128xf32, #tpu.memory_space<hbm>>
      %dma_start3A_137 = tpu.memref_squeeze %dma_start3A_136 : memref<1x640x128xf32, #tpu.memory_space<hbm>> -> memref<640x128xf32, #tpu.memory_space<hbm>>
      %dma_start3A_138 = arith.constant 0 : i32
      %dma_start3A_139 = tpu.memref_slice %arg7[%mul3A_0, %dma_start3A_138] : memref<10240x128xf32, #tpu.memory_space<vmem_shared>> -> memref<640x128xf32, #tpu.memory_space<vmem_shared>>
      tpu.enqueue_dma source(%dma_start3A_139 : memref<640x128xf32, #tpu.memory_space<vmem_shared>>) target(%dma_start3A_137 : memref<640x128xf32, #tpu.memory_space<hbm>>) target_semaphore(%run_scoped3A : memref<!tpu.dma_semaphore, #tpu.memory_space<semaphore_mem>>)
      %dma_wait3A_140 = arith.constant 0 : i32
      %dma_wait3A_141 = tpu.memref_slice %arg6[%arg0, %mul3A_0, %dma_wait3A_140] : memref<2x10240x128xf32, #tpu.memory_space<hbm>> -> memref<1x640x128xf32, #tpu.memory_space<hbm>>
      %dma_wait3A_142 = tpu.memref_squeeze %dma_wait3A_141 : memref<1x640x128xf32, #tpu.memory_space<hbm>> -> memref<640x128xf32, #tpu.memory_space<hbm>>
      %dma_wait3A_143 = arith.constant 0 : i32
      %dma_wait3A_144 = tpu.memref_slice %arg7[%mul3A_0, %dma_wait3A_143] : memref<10240x128xf32, #tpu.memory_space<vmem_shared>> -> memref<640x128xf32, #tpu.memory_space<vmem_shared>>
      tpu.wait_dma2 semaphore(%run_scoped3A : memref<!tpu.dma_semaphore, #tpu.memory_space<semaphore_mem>>) src(%dma_wait3A_144 : memref<640x128xf32, #tpu.memory_space<vmem_shared>>) dst(%dma_wait3A_142 : memref<640x128xf32, #tpu.memory_space<hbm>>)
      tpu.yield
    }) : () -> ()
    return
  }
}

module attributes {stable_mosaic.version = 14 : i64} {
  func.func @_mm_body(%arg0: i32, %arg1: memref<2000x128xf32, #tpu.memory_space<vmem>>, %arg2: memref<128x128xf32, #tpu.memory_space<vmem>>, %arg3: memref<2000x1xf32, #tpu.memory_space<vmem>>, %arg4: memref<2000x128xf32, #tpu.memory_space<vmem>>) attributes {dimension_semantics = [#tpu.dimension_semantics<arbitrary>], iteration_bounds = array<i64: 5>, scalar_prefetch = 0 : i64, scratch_operands = 0 : i64, tpu.core_type = #tpu.core_type<tc>, window_params = [{transform_indices = @transform_0, window_bounds = array<i64: 2000, 128>}, {pipeline_mode = #tpu.pipeline_mode<synchronous>, transform_indices = @transform_1, window_bounds = array<i64: 128, 128>}, {transform_indices = @transform_2, window_bounds = array<i64: 2000, 1>}, {transform_indices = @transform_3, window_bounds = array<i64: 2000, 128>}]} {
    %get3A = arith.constant 0 : index
    %get3A_0 = arith.constant 0 : index
    %get3A_1 = vector.load %arg1[%get3A, %get3A_0] : memref<2000x128xf32, #tpu.memory_space<vmem>>, vector<2000x128xf32>
    %get3A_2 = arith.constant 0 : index
    %get3A_3 = arith.constant 0 : index
    %get3A_4 = vector.load %arg2[%get3A_2, %get3A_3] : memref<128x128xf32, #tpu.memory_space<vmem>>, vector<128x128xf32>
    %dot_general3A = arith.constant dense<0.000000e+00> : vector<2000x128xf32>
    %dot_general3A_5 = tpu.matmul %get3A_1, %get3A_4, %dot_general3A {dimension_numbers = #tpu.dot_dimension_numbers<[1], [0], [0], [1], [0, 0, 1, 1], [], []>, transpose_lhs_hint = false} : vector<2000x128xf32>, vector<128x128xf32>, vector<2000x128xf32> -> vector<2000x128xf32>
    %get3A_6 = arith.constant 0 : index
    %get3A_7 = arith.constant 0 : index
    %get3A_8 = vector.load %arg3[%get3A_6, %get3A_7] : memref<2000x1xf32, #tpu.memory_space<vmem>>, vector<2000x1xf32>
    %mul3A = vector.broadcast %get3A_8 : vector<2000x1xf32> to vector<2000x128xf32>
    %mul3A_9 = arith.mulf %dot_general3A_5, %mul3A : vector<2000x128xf32>
    %swap3A = arith.constant 0 : index
    %swap3A_10 = arith.constant 0 : index
    %swap3A_11 = vector.load %arg4[%swap3A, %swap3A_10] : memref<2000x128xf32, #tpu.memory_space<vmem>>, vector<2000x128xf32>
    tpu.vector_store %arg4[%swap3A, %swap3A_10], %mul3A_9 {strides = array<i32>} : memref<2000x128xf32, #tpu.memory_space<vmem>>, vector<2000x128xf32>,
    return
  }
  func.func @transform_0(%arg0: i32) -> (i32, i32) {
    %c0_i32 = arith.constant 0 : i32
    %c0_i32_0 = arith.constant 0 : i32
    return %arg0, %c0_i32 : i32, i32
  }
  func.func @transform_1(%arg0: i32) -> (i32, i32) {
    %c0_i32 = arith.constant 0 : i32
    %c0_i32_0 = arith.constant 0 : i32
    %c0_i32_1 = arith.constant 0 : i32
    return %c0_i32, %c0_i32_0 : i32, i32
  }
  func.func @transform_2(%arg0: i32) -> (i32, i32) {
    %c0_i32 = arith.constant 0 : i32
    %c0_i32_0 = arith.constant 0 : i32
    return %arg0, %c0_i32 : i32, i32
  }
  func.func @transform_3(%arg0: i32) -> (i32, i32) {
    %c0_i32 = arith.constant 0 : i32
    %c0_i32_0 = arith.constant 0 : i32
    return %arg0, %c0_i32 : i32, i32
  }
}

module attributes {stable_mosaic.version = 14 : i64} {
  func.func @_merge_body(%arg0: i32, %arg1: memref<2x2000x128xf32, #tpu.memory_space<vmem>>, %arg2: memref<2000x1xf32, #tpu.memory_space<vmem>>, %arg3: memref<2000x128xf32, #tpu.memory_space<vmem>>) attributes {dimension_semantics = [#tpu.dimension_semantics<arbitrary>], iteration_bounds = array<i64: 5>, scalar_prefetch = 0 : i64, scratch_operands = 0 : i64, tpu.core_type = #tpu.core_type<tc>, window_params = [{transform_indices = @transform_0, window_bounds = array<i64: 2, 2000, 128>}, {transform_indices = @transform_1, window_bounds = array<i64: 2000, 1>}, {transform_indices = @transform_2, window_bounds = array<i64: 2000, 128>}]} {
    %get3A = arith.constant 0 : index
    %get3A_0 = arith.constant 0 : index
    %get3A_1 = arith.constant 0 : index
    %get3A_2 = vector.load %arg1[%get3A, %get3A_0, %get3A_1] : memref<2x2000x128xf32, #tpu.memory_space<vmem>>, vector<1x2000x128xf32>
    %get3A_3 = vector.shape_cast %get3A_2 : vector<1x2000x128xf32> to vector<2000x128xf32>
    %get3A_4 = arith.constant 1 : index
    %get3A_5 = arith.constant 0 : index
    %get3A_6 = arith.constant 0 : index
    %get3A_7 = vector.load %arg1[%get3A_4, %get3A_5, %get3A_6] : memref<2x2000x128xf32, #tpu.memory_space<vmem>>, vector<1x2000x128xf32>
    %get3A_8 = vector.shape_cast %get3A_7 : vector<1x2000x128xf32> to vector<2000x128xf32>
    %add3A = arith.addf %get3A_3, %get3A_8 : vector<2000x128xf32>
    %get3A_9 = arith.constant 0 : index
    %get3A_10 = arith.constant 0 : index
    %get3A_11 = vector.load %arg2[%get3A_9, %get3A_10] : memref<2000x1xf32, #tpu.memory_space<vmem>>, vector<2000x1xf32>
    %mul3A = vector.broadcast %get3A_11 : vector<2000x1xf32> to vector<2000x128xf32>
    %mul3A_12 = arith.mulf %add3A, %mul3A : vector<2000x128xf32>
    %swap3A = arith.constant 0 : index
    %swap3A_13 = arith.constant 0 : index
    %swap3A_14 = vector.load %arg3[%swap3A, %swap3A_13] : memref<2000x128xf32, #tpu.memory_space<vmem>>, vector<2000x128xf32>
    tpu.vector_store %arg3[%swap3A, %swap3A_13], %mul3A_12 {strides = array<i32>} : memref<2000x128xf32, #tpu.memory_space<vmem>>, vector<2000x128xf32>,
    return
  }
  func.func @transform_0(%arg0: i32) -> (i32, i32, i32) {
    %c0_i32 = arith.constant 0 : i32
    %c0_i32_0 = arith.constant 0 : i32
    %c0_i32_1 = arith.constant 0 : i32
    return %c0_i32, %arg0, %c0_i32_0 : i32, i32, i32
  }
  func.func @transform_1(%arg0: i32) -> (i32, i32) {
    %c0_i32 = arith.constant 0 : i32
    %c0_i32_0 = arith.constant 0 : i32
    return %arg0, %c0_i32 : i32, i32
  }
  func.func @transform_2(%arg0: i32) -> (i32, i32) {
    %c0_i32 = arith.constant 0 : i32
    %c0_i32_0 = arith.constant 0 : i32
    return %arg0, %c0_i32 : i32, i32
  }
}

</mosaic_0001>

<sc_bundles>
// kernel: kernel.5.cloned.1.call-start
scs
__scs_entry_jumppad:
0x0: {  	(pc) =	sbr.rel $0x88, $3  }
0x1: {  	(tag) =	ssettag $0x0;
	lr =	simm.s32 $0x1  }
0x2: {  	[smem:$0x3F9D] =	sst lr;
	_ =	strace $0xD0000000  }
0x3: {  	_ = 	snop  }
0x4: {  	_ = 	snop  }
0x5: {  	_ = 	snop  }
0x6: {  	_ = 	snop  }
0x7: {  	_ = 	snop  }
__scs_overlays_trampoline_lowered:
0x8: {  	[smem:$0x3FAC] =	sst s0  }
0x9: {  	[smem:$0x3FAD] =	sst s1  }
0xa: {  	[smem:$0x3FAE] =	sst s2  }
0xb: {  	[smem:$0x3FAF] =	sst s3  }
0xc: {  	[smem:$0x3FB0] =	sst s4  }
0xd: {  	[smem:$0x3FB1] =	sst s5  }
0xe: {  	[smem:$0x3FB2] =	sst s6  }
0xf: {  	[smem:$0x3FB3] =	sst s7  }
0x10: {  	[smem:$0x3FB4] =	sst s8  }
0x11: {  	[smem:$0x3FB5] =	sst s9;
	s0 =	simm.s32 @!p0 $0x0  }
0x12: {  	s1 =	sld [smem:$0x3F9B];
	s0 =	simm.s32 @p0 $0x1  }
0x13: {  	[smem:$0x3FB6] =	sst s0;
	s0 =	simm.s32 @!p1 $0x0  }
0x14: {  	s2 =	sld [smem:$0x3F9A];
	s0 =	simm.s32 @p1 $0x1  }
0x15: {  	[smem:$0x3FB7] =	sst s0;
	s0 =	simm.s32 @!p2 $0x0  }
0x16: {  	s3 =	sld [smem:$0x3FDB];
	s0 =	simm.s32 @p2 $0x1  }
0x17: {  	s4 =	simm.s32 $0x1BF5;
	[smem:$0x3FB9] =	sst s0  }
0x18: {  	s0 =	sld [smem:$0x3F9C];
	_ =	swait.ge [sflag:s4], $0x0  }
0x19: {  	s7 =	sld [smem:$0x3F9D]  }
0x1a: {  	s8 =	sadd.s32 $0xFFFFE003, lr  }
0x1b: {  	s9 =	sadd.s32 $0xFFFFFEF7, lr;
	s5 =	simm.s32 $0xFFFFFFFF;
	p2 =	slt.u32 s8, $0xFFFFF086  }
0x1c: {  	p1 =	slt.u32 s9, $0xF7A;
	s5 =	simm.s32 @!p2 $0x0  }
0x1d: {  	s5 =	simm.s32 @p1 $0x1;
	p0 =	seq.s32 s7, s2  }
0x1e: {  	s7 =	smul.u32 @!p0 $0xF7A, s2;
	p2 =	seq.s32 @!p0 s5, $0x0  }
0x1f: {  	s9 =	smul.u32 $0xF7A, s1;
	s8 =	simm.s32 @!p0 $0x1BF5;
	p2 =	por !p2, p0  }
0x20: {  	[sflag:s8] =	ssyncset.s32 @!p0 $0xFFFFF086;
	s6 =	sadd.s32 @!p0 s3, s7;
	s7 =	simm.s32 @!p0 $0x108  }
0x21: {  	s3 =	sadd.s32 s3, s9;
	s6 =	sadd.s32 @!p0 $0x88, s6;
	s7 =	simm.s32 @p2 $0x1082  }
0x22: {  	[simem:s7], [sflag:s8] =	dma.local @!p0 [hbm:s6], $0xF7A  }
0x23: {  	s9 =	sor.u32 $0xD0000000, s2;
	s6 =	simm.s32 $0x108;
	_ =	swait.ge @!p0 [sflag:s8], $0x0  }
0x24: {  	s3 =	sadd.s32 $0x88, s3;
	s6 =	simm.s32 @!p1 $0x1082;
	[sflag:s4] =	ssyncset.s32 $0xFFFFF086  }
0x25: {  	[simem:s6], [sflag:s4] =	dma.local [hbm:s3], $0xF7A  }
0x26: {  	[smem:$0x3F9D] =	sst s1;
	(tag) =	ssettag s2;
	_ =	strace s9  }
0x27: {  	s1 =	sld [smem:$0x3FAD]  }
0x28: {  	s2 =	sld [smem:$0x3FAE]  }
0x29: {  	s4 =	sld [smem:$0x3FB0]  }
0x2a: {  	p0 =	seq.s32 s5, $0x0;
	s5 =	sld [smem:$0x3FB1]  }
0x2b: {  	s6 =	sld [smem:$0x3FB2]  }
0x2c: {  	s7 =	sld [smem:$0x3FB3]  }
0x2d: {  	s3 =	simm.s32 $0x108;
	s8 =	sld [smem:$0x3FB4]  }
0x2e: {  	s3 =	simm.s32 @!p0 $0x1082;
	s9 =	sld [smem:$0x3FB5]  }
0x2f: {  	lr =	sadd.s32 s0, s3;
	s0 =	sld [smem:$0x3FAC]  }
0x30: {  	s3 =	sld [smem:$0x3FAF]  }
0x31: {  	[smem:$0x3FB8] =	sst s10  }
0x32: {  	s10 =	sld [smem:$0x3FB6];
	_ =	sdelay $0x3  }
0x33: {  	p0 =	seq.s32 s10, $0x1;
	s10 =	sld [smem:$0x3FB8];
	_ =	sdelay $0x3  }
0x34: {  	[smem:$0x3FB8] =	sst s10  }
0x35: {  	s10 =	sld [smem:$0x3FB7];
	_ =	sdelay $0x3  }
0x36: {  	p1 =	seq.s32 s10, $0x1;
	s10 =	sld [smem:$0x3FB8];
	_ =	sdelay $0x3  }
0x37: {  	[smem:$0x3FB8] =	sst s10  }
0x38: {  	s10 =	sld [smem:$0x3FB9]  }
0x39: {  	_ = 	snop;
	(pc) =	sbr.ind lr, $3  }
0x3a: {  	_ = 	snop  }
0x3b: {  	_ = 	snop  }
0x3c: {  	p2 =	seq.s32 s10, $0x1;
	s10 =	sld [smem:$0x3FB8]  }
0x3d: {  	_ =	shalt  }
0x3e: {  	_ =	shalt  }
0x3f: {  	_ =	shalt  }
0x40: {  	_ =	shalt  }
0x41: {  	_ =	shalt  }
0x42: {  	_ =	shalt  }
0x43: {  	_ =	shalt  }
0x44: {  	_ =	shalt  }
0x45: {  	_ =	shalt  }
0x46: {  	_ =	shalt  }
0x47: {  	_ =	shalt  }
0x48: {  	_ =	shalt  }
0x49: {  	_ =	shalt  }
0x4a: {  	_ =	shalt  }
0x4b: {  	_ =	shalt  }
0x4c: {  	_ =	shalt  }
0x4d: {  	_ =	shalt  }
0x4e: {  	_ =	shalt  }
0x4f: {  	_ =	shalt  }
0x50: {  	_ =	shalt  }
0x51: {  	_ =	shalt  }
0x52: {  	_ =	shalt  }
0x53: {  	_ =	shalt  }
0x54: {  	_ =	shalt  }
0x55: {  	_ =	shalt  }
0x56: {  	_ =	shalt  }
0x57: {  	_ =	shalt  }
0x58: {  	_ =	shalt  }
0x59: {  	_ =	shalt  }
0x5a: {  	_ =	shalt  }
0x5b: {  	_ =	shalt  }
0x5c: {  	_ =	shalt  }
0x5d: {  	_ =	shalt  }
0x5e: {  	_ =	shalt  }
0x5f: {  	_ =	shalt  }
0x60: {  	_ =	shalt  }
0x61: {  	_ =	shalt  }
0x62: {  	_ =	shalt  }
0x63: {  	_ =	shalt  }
0x64: {  	_ =	shalt  }
0x65: {  	_ =	shalt  }
0x66: {  	_ =	shalt  }
0x67: {  	_ =	shalt  }
0x68: {  	_ =	shalt  }
0x69: {  	_ =	shalt  }
0x6a: {  	_ =	shalt  }
0x6b: {  	_ =	shalt  }
0x6c: {  	_ =	shalt  }
0x6d: {  	_ =	shalt  }
0x6e: {  	_ =	shalt  }
0x6f: {  	_ =	shalt  }
0x70: {  	_ =	shalt  }
0x71: {  	_ =	shalt  }
0x72: {  	_ =	shalt  }
0x73: {  	_ =	shalt  }
0x74: {  	_ =	shalt  }
0x75: {  	_ =	shalt  }
0x76: {  	_ =	shalt  }
0x77: {  	_ =	shalt  }
0x78: {  	_ =	shalt  }
0x79: {  	_ =	shalt  }
0x7a: {  	_ =	shalt  }
0x7b: {  	_ =	shalt  }
0x7c: {  	_ =	shalt  }
0x7d: {  	_ =	shalt  }
0x7e: {  	_ =	shalt  }
0x7f: {  	_ =	shalt  }
0x80: {  	_ =	shalt  }
0x81: {  	_ =	shalt  }
0x82: {  	_ =	shalt  }
0x83: {  	_ =	shalt  }
0x84: {  	_ =	shalt  }
0x85: {  	_ =	shalt  }
0x86: {  	_ =	shalt  }
0x87: {  	_ =	shalt  }
.Lfunc_end0:
.L_simem_size_0:
called_computation_lowered:
.L_overlay_start_0:
0x88: {  	s2 =	sld [smem:$0x3FD9]  }
0x89: {  	s3 =	sld [smem:$0x3FFE];
	_ =	sdelay $0x1  }
0x8a: {  	s1 =	srdreg.scid  }
0x8b: {  	s0 =	sand.u32 $0x1, s1  }
0x8c: {  	s17 =	sshll.u32 s0, $0xA;
	s2 =	sadd.s32 s3, s2  }
0x8d: {  	s2 =	sadd.s32 s2, s17  }
0x8e: {  	[smem:$0x3FC4] =	sst s2  }
0x8f: {  	_ = 	snop  }
0x90: {  	s2 =	sld [smem:$0x3FD0];
	(tm) =	ssettm $0x1  }
0x91: {  	s18 =	sld [smem:$0x3FFB];
	_ =	sdelay $0x3  }
0x92: {  	_ =	strace s18  }
0x93: {  	s3 =	sld [smem:$0x3FFC];
	_ =	sdelay $0x3  }
0x94: {  	_ =	strace s3  }
0x95: {  	s3 =	sld [smem:$0x3FFD];
	_ =	sdelay $0x3  }
0x96: {  	_ =	strace s3  }
0x97: {  	_ =	strace $0x8FFFFFFF  }
0x98: {  	s19 =	sld [smem:$0x3FDB];
	_ =	sdelay $0x1  }
0x99: {  	s4 =	simm.s32 $_scs_section_size  }
0x9a: {  	s5 =	simm.s32 $_size__tile_overlayer_lowered;
	s6 =	simm.s32 $_tile_overlayer_lowered  }
0x9b: {  	s22 =	simm.s32 $0x1BFF;
	s21 =	sshll.u32 s6, $0x1;
	s3 =	sadd.s32 s4, s19  }
0x9c: {  	s7 =	simm.s32 $0x0;
	s20 =	sshll.u32 s5, $0x1;
	s5 =	sadd.s32 s21, s3  }
0x9d: {  	[timem:s7], [sflag:s22] =	dma.local [hbm:s5], s20  }
0x9e: {  	_ =	swait.ge [sflag:s22], s20  }
0x9f: {  	s4 =	ssub.s32 $0x0, s20;
	[sflag:s22] =	ssyncset.done $0x0  }
0xa0: {  	[sflag:s22] =	ssyncadd.s32 s4;
	_ =	sdelay $0x1  }
0xa1: {  	s23 =	simm.s32 $0x1B8B  }
0xa2: {  	_ =	swait.ge [sflag:s23], $0x1  }
0xa3: {  	[sflag:s23] =	ssyncset.done $0x0  }
0xa4: {  	s25 =	simm.s32 $0x1B8E;
	s24 =	sld [smem:$0x3FFE];
	[sflag:s23] =	ssyncadd.s32 $0xFFFFFFFF  }
0xa5: {  	s26 =	simm.s32 $execute0_lowered;
	[smem:$0x3FD2] =	sst s25  }
0xa6: {  	s5 =	sshll.u32 s26, $0x1;
	_ =	strace $0x80000046;
	[dreg:$0x1] =	wrdreg $0xFFFFFFFF  }
0xa7: {  	s28 =	simm.s32 $_size_execute0_lowered;
	s3 =	sadd.s32 s3, s5;
	[dreg:$0x0] =	wrdreg $0x0  }
0xa8: {  	s5 =	sshll.u32 s28, $0x1;
	[dreg:$0x2] =	wrdreg s3  }
0xa9: {  	[dreg:$0x3] =	wrdreg s5  }
0xaa: {  	[dreg:$0x4] =	wrdreg $0xC0  }
0xab: {  	_ =	task [dreg:s7], $0x5FFFF  }
0xac: {  	[dreg:$0x1] =	wrdreg $0xFFFFFFFF  }
0xad: {  	[dreg:$0x0] =	wrdreg $0x60  }
0xae: {  	[dreg:$0x2] =	wrdreg s2  }
0xaf: {  	[dreg:$0x3] =	wrdreg s24  }
0xb0: {  	[dreg:$0x4] =	wrdreg $0x0  }
0xb1: {  	[dreg:$0x5] =	wrdreg $0x9  }
0xb2: {  	_ =	task.clear_ibuf [dreg:s7], $0x6FFFF;
	_ =	strace $0x90000046  }
0xb3: {  	s29 =	simm.s32 $0x9;
	_ =	strace $0x80000048  }
0xb4: {  	_ =	swait.ge [sflag:s29], $0x1  }
0xb5: {  	[sflag:s29] =	ssyncadd.s32 $0xFFFFFFFF  }
0xb6: {  	_ =	strace $0x90000048  }
0xb7: {  	_ =	sfence  }
0xb8: {  	s30 =	sld [smem:$0x0];
	_ =	sdelay $0x2  }
0xb9: {  	s31 =	sshll.u32 s1, $0xD;
	s1 =	sshrl.u32 s1, $0x2  }
0xba: {  	s3 =	sand.u32 $0x4000, s31;
	s1 =	sadd.s32 s1, s30  }
0xbb: {  	s0 =	sor.u32 s3, s0;
	s1 =	sshll.u32 s1, $0x11  }
0xbc: {  	s0 =	sor.u32 s1, s0  }
0xbd: {  	s0 =	sadd.s32 $0x8F2B, s0  }
0xbe: {  	[sflag:s0] =	ssyncadd.remote.s32 $0x1  }
0xbf: {  	_ =	sfence.sel $0xFFFF  }
0xc0: {  	[dreg:$0x0] =	wrdreg $0xFFFFFFFF;
	(pc) =	sbr.abs _section_cstart, $3  }
0xc1: {  	[dreg:$0x1] =	wrdreg $0xFFFFFFFF  }
0xc2: {  	_ =	task.clear_ibuf [dreg:s7], $0x2FFFF;
	_ =	strace $0x9FFFFFFF  }
0xc3: {  	(tm) =	ssettm $0x7FFFFFFF  }
tec
execute0_lowered:
.L_overlay_start_1:
0x0: {  	(tag) =	ssettag $0x1  }
0x1: {  	s1 =	rddreg [dreg:$0x0]  }
0x2: {  	s0 =	rddreg [dreg:$0x1]  }
0x3: {  	s2 =	rddreg [dreg:$0x2];
	s4 =	simm.s32 $0x0  }
0x4: {  	s3 =	srdreg.scid;
	s11 =	stileid.u32;
	s15 =	simm.s32 $0x14000  }
0x5: {  	s19 =	simm.s32 $0x1;
	s20 =	simm.s32 $0x2;
	s21 =	simm.s32 $0x7D  }
0x6: {  	s22 =	simm.s32 $0x16000;
	s24 =	simm.s32 $0x1A000;
	[smem:$0x7FF] =	sst s4  }
0x7: {  	s3 =	sand.u32 $0x1, s3;
	s7 =	smul.u32 $0x14000, s11;
	s14 =	sadd.s32 $0xAC00, s0  }
0x8: {  	s13 =	sadd.s32 $0xC00, s0;
	s25 =	sadd.s32 $0x14C00, s0;
	s29 =	smul.u32 $0x2800, s11  }
0x9: {  	s6 =	smul.u32 $0x140000, s3;
	_ =	strace $0x80000047;
	s5 =	sshll.u32 s3, $0x4  }
0xa: {  	[dreg:$0x4] =	wrdreg s25;
	s9 =	ssub.s32 $0x2, s3;
	s3 =	smul.u32 $0x28000, s3  }
0xb: {  	s25 =	simm.s32 $0x4;
	s8 =	sor.u32 s11, s5;
	s11 =	smul.u32 $0x50000, s11  }
0xc: {  	s28 =	sshrl.u32 s9, $0x1;
	s6 =	sadd.s32 s7, s6;
	s26 =	smul.u32 $0x500, s8  }
0xd: {  	s8 =	smul.u32 $0x2800, s8;
	s12 =	ssub.s32 s9, s28;
	s3 =	sadd.s32 s29, s3  }
0xe: {  	s6 =	sshrl.u32 s6, $0x3;
	s30 =	sshrl.u32 s11, $0x2;
	s3 =	sadd.s32 $0x1000, s3  }
.Ltmp0:
0xf: {  	s12 =	smax.u32 s12, $0x1;
	s0 =	sadd.s32 s6, s0;
	(pc) =	sbr.rel .LBB2_1-.Ltmp0, $4  }
0x10: {  	s8 =	sshrl.u32 s8, $0x3;
	s6 =	sadd.s32 s14, s26;
	s7 =	sadd.s32 s13, s26  }
0x11: {  	s31 =	sshrl.u32 s3, $0x3;
	s26 =	simm.s32 $0x0;
	s10 =	sadd.s32 $0x100, s8  }
0x12: {  	s11 =	sadd.s32 $0x17400, s0;
	s8 =	sadd.s32 s14, s10;
	s9 =	sadd.s32 s13, s10  }
0x13: {  	s10 =	sadd.s32 s30, s2;
	s13 =	sadd.s32 s31, s13;
	s14 =	sadd.s32 s31, s14  }
.LBB2_3:
0x14: {  	_ =	swait.ge [sflag:s20], $0x3E80  }
0x15: {  	[sflag:s20] =	ssyncset.done $0x0  }
0x16: {  	s0 =	sor.u32 $0x15000, s18;
	[sflag:s20] =	ssyncadd.s32 $0xFFFFC180  }
0x17: {  	[spmem:s2] =	stream.indirect.scatter.add.f32 [tilespmem:s24], [sflag:$0x4], $0x80, s0, s21, $0xb8;
	[tilespmem:$0x1E000] =	vst v63  }
0x18: {  	_ =	swait.ge [sflag:s25], $0x3E80  }
0x19: {  	[sflag:s25] =	ssyncset.done $0x0  }
0x1a: {  	[sflag:s25] =	ssyncadd.s32 $0xFFFFC180  }
.LBB2_5:
0x1b: {  	s26 =	sadd.s32 $0x1, s26  }
0x1c: {  	p0 =	sne.s32 s26, s12  }
.Ltmp1:
0x1d: {  	[bflag:$0x0] =	sbarrier.arrive $0xFFFF;
	(pc) =	sbr.rel @!p0 .LBB2_6-.Ltmp1, $4  }
0x1e: {  	[hbm:s11], [sflag:s28] =	dma.local [spmem:s29], $0x2800  }
0x1f: {  	_ =	swait.ge [sflag:s25], $0x2800  }
0x20: {  	[sflag:s25] =	ssyncset.done $0x0  }
0x21: {  	[sflag:s25] =	ssyncadd.s32 $0xFFFFD800  }
.LBB2_1:
0x22: {  	[tilespmem:s15], [sflag:$0x1] =	stream.linear.gather [hbm4b:s6+s4], $0x800, $0x38;
	[tilespmem:$0x1E000] =	vst v63  }
0x23: {  	s0 =	simm.s32 $0x15000  }
0x24: {  	[tilespmem:s0], [sflag:$0x2] =	stream.linear.gather [hbm4b:s7+s4], $0x800, $0x38;
	[tilespmem:$0x1E000] =	vst v63  }
0x25: {  	s5 =	simm.s32 $0x14800  }
0x26: {  	[tilespmem:s5], [sflag:$0x3] =	stream.linear.gather [hbm4b:s8+s4], $0x800, $0x38;
	[tilespmem:$0x1E000] =	vst v63  }
0x27: {  	s16 =	simm.s32 $0x15800  }
0x28: {  	[tilespmem:s16], [sflag:$0x3] =	stream.linear.gather [hbm4b:s9+s4], $0x800, $0x38;
	[tilespmem:$0x1E000] =	vst v63  }
0x29: {  	_ =	swait.ge [sflag:s19], $0x800  }
0x2a: {  	[sflag:s19] =	ssyncset.done $0x0  }
0x2b: {  	[sflag:s19] =	ssyncadd.s32 $0xFFFFF800  }
0x2c: {  	_ =	swait.ge [sflag:s20], $0x800  }
0x2d: {  	s18 =	stileid.u32;
	[sflag:s20] =	ssyncset.done $0x0  }
0x2e: {  	s17 =	simm.s32 $0x14080;
	s0 =	sshll.u32 s18, $0x6;
	[sflag:s20] =	ssyncadd.s32 $0xFFFFF800  }
0x2f: {  	[tilespmem:s22], [sflag:$0x1] =	stream.indirect.gather [hbm4b:s1+s21], $0x80, s15, s21, $0xb8;
	[tilespmem:$0x1E000] =	vst v63  }
0x30: {  	s29 =	sshrl.u32 s10, $0x3;
	s28 =	sor.u32 $0x1C04, s0;
	s23 =	rddreg [dreg:$0x4]  }
0x31: {  	[tilespmem:s24], [sflag:$0x2] =	stream.indirect.gather [hbm4b:s1+s21], $0x80, s17, s21, $0xb8;
	[tilespmem:$0x1E000] =	vst v63  }
0x32: {  	[spmem:s29], [sflag:s28] =	dma.local [hbm:s23], $0x2800  }
0x33: {  	_ =	swait.ge [sflag:s25], $0x2800  }
0x34: {  	[sflag:s25] =	ssyncset.done $0x0  }
0x35: {  	s30 =	simm.s32 $0x2000;
	s31 =	simm.s32 $0x0;
	[sflag:s25] =	ssyncadd.s32 $0xFFFFD800  }
0x36: {  	s0 =	simm.s32 $0x0;
	s16 =	simm.s32 $0x0;
	[bflag:$0x0] =	sbarrier.arrive $0xFFFF  }
.LBB2_2:
0x37: {  	_ =	swait.ge [sflag:s19], $0x3E80  }
0x38: {  	s3 =	sand.u32 $0x800, s31;
	[sflag:s19] =	ssyncset.done $0x0  }
0x39: {  	s17 =	sor.u32 $0x15000, s3;
	[sflag:s19] =	ssyncadd.s32 $0xFFFFC180  }
0x3a: {  	[spmem:s2] =	stream.indirect.scatter.add.f32 [tilespmem:s22], [sflag:$0x4], $0x80, s17, s21, $0xb8;
	[tilespmem:$0x1E000] =	vst v63  }
0x3b: {  	_ =	swait.ge [sflag:s25], $0x3E80  }
0x3c: {  	[sflag:s25] =	ssyncset.done $0x0  }
0x3d: {  	s18 =	sor.u32 $0x14100, s3;
	[sflag:s25] =	ssyncadd.s32 $0xFFFFC180  }
0x3e: {  	[tilespmem:s22], [sflag:$0x1] =	stream.indirect.gather [hbm4b:s1+s21], $0x80, s18, s21, $0xb8;
	[tilespmem:$0x1E000] =	vst v63  }
0x3f: {  	_ =	swait.ge [sflag:s20], $0x3E80  }
0x40: {  	[sflag:s20] =	ssyncset.done $0x0  }
0x41: {  	s23 =	sor.u32 $0x15080, s3;
	[sflag:s20] =	ssyncadd.s32 $0xFFFFC180  }
0x42: {  	[spmem:s2] =	stream.indirect.scatter.add.f32 [tilespmem:s24], [sflag:$0x4], $0x80, s23, s21, $0xb8;
	[tilespmem:$0x1E000] =	vst v63  }
0x43: {  	_ =	swait.ge [sflag:s25], $0x3E80  }
0x44: {  	[sflag:s25] =	ssyncset.done $0x0  }
0x45: {  	s5 =	sor.u32 $0x14180, s3;
	[sflag:s25] =	ssyncadd.s32 $0xFFFFC180  }
0x46: {  	[tilespmem:s24], [sflag:$0x2] =	stream.indirect.gather [hbm4b:s1+s21], $0x80, s5, s21, $0xb8;
	[tilespmem:$0x1E000] =	vst v63  }
0x47: {  	_ =	swait.ge [sflag:s19], $0x3E80  }
0x48: {  	[sflag:s19] =	ssyncset.done $0x0  }
0x49: {  	s23 =	sor.u32 $0x15100, s3;
	[sflag:s19] =	ssyncadd.s32 $0xFFFFC180  }
0x4a: {  	[spmem:s2] =	stream.indirect.scatter.add.f32 [tilespmem:s22], [sflag:$0x4], $0x80, s23, s21, $0xb8;
	[tilespmem:$0x1E000] =	vst v63  }
0x4b: {  	_ =	swait.ge [sflag:s25], $0x3E80  }
0x4c: {  	[sflag:s25] =	ssyncset.done $0x0  }
0x4d: {  	s5 =	sor.u32 $0x14200, s3;
	[sflag:s25] =	ssyncadd.s32 $0xFFFFC180  }
0x4e: {  	[tilespmem:s22], [sflag:$0x1] =	stream.indirect.gather [hbm4b:s1+s21], $0x80, s5, s21, $0xb8;
	[tilespmem:$0x1E000] =	vst v63  }
0x4f: {  	_ =	swait.ge [sflag:s20], $0x3E80  }
0x50: {  	[sflag:s20] =	ssyncset.done $0x0  }
0x51: {  	s23 =	sor.u32 $0x15180, s3;
	[sflag:s20] =	ssyncadd.s32 $0xFFFFC180  }
0x52: {  	[spmem:s2] =	stream.indirect.scatter.add.f32 [tilespmem:s24], [sflag:$0x4], $0x80, s23, s21, $0xb8;
	[tilespmem:$0x1E000] =	vst v63  }
0x53: {  	_ =	swait.ge [sflag:s25], $0x3E80  }
0x54: {  	[sflag:s25] =	ssyncset.done $0x0  }
0x55: {  	s5 =	sor.u32 $0x14280, s3;
	[sflag:s25] =	ssyncadd.s32 $0xFFFFC180  }
0x56: {  	[tilespmem:s24], [sflag:$0x2] =	stream.indirect.gather [hbm4b:s1+s21], $0x80, s5, s21, $0xb8;
	[tilespmem:$0x1E000] =	vst v63  }
0x57: {  	_ =	swait.ge [sflag:s19], $0x3E80  }
0x58: {  	[sflag:s19] =	ssyncset.done $0x0  }
0x59: {  	s23 =	sor.u32 $0x15200, s3;
	[sflag:s19] =	ssyncadd.s32 $0xFFFFC180  }
0x5a: {  	[spmem:s2] =	stream.indirect.scatter.add.f32 [tilespmem:s22], [sflag:$0x4], $0x80, s23, s21, $0xb8;
	[tilespmem:$0x1E000] =	vst v63  }
0x5b: {  	_ =	swait.ge [sflag:s25], $0x3E80  }
0x5c: {  	[sflag:s25] =	ssyncset.done $0x0  }
0x5d: {  	s5 =	sor.u32 $0x14300, s3;
	[sflag:s25] =	ssyncadd.s32 $0xFFFFC180  }
0x5e: {  	[tilespmem:s22], [sflag:$0x1] =	stream.indirect.gather [hbm4b:s1+s21], $0x80, s5, s21, $0xb8;
	[tilespmem:$0x1E000] =	vst v63  }
0x5f: {  	_ =	swait.ge [sflag:s20], $0x3E80  }
0x60: {  	[sflag:s20] =	ssyncset.done $0x0  }
0x61: {  	s23 =	sor.u32 $0x15280, s3;
	[sflag:s20] =	ssyncadd.s32 $0xFFFFC180  }
0x62: {  	[spmem:s2] =	stream.indirect.scatter.add.f32 [tilespmem:s24], [sflag:$0x4], $0x80, s23, s21, $0xb8;
	[tilespmem:$0x1E000] =	vst v63  }
0x63: {  	_ =	swait.ge [sflag:s25], $0x3E80  }
0x64: {  	[sflag:s25] =	ssyncset.done $0x0  }
0x65: {  	s5 =	sor.u32 $0x14380, s3;
	[sflag:s25] =	ssyncadd.s32 $0xFFFFC180  }
0x66: {  	[tilespmem:s24], [sflag:$0x2] =	stream.indirect.gather [hbm4b:s1+s21], $0x80, s5, s21, $0xb8;
	[tilespmem:$0x1E000] =	vst v63  }
0x67: {  	_ =	swait.ge [sflag:s19], $0x3E80  }
0x68: {  	[sflag:s19] =	ssyncset.done $0x0  }
0x69: {  	s23 =	sor.u32 $0x15300, s3;
	[sflag:s19] =	ssyncadd.s32 $0xFFFFC180  }
0x6a: {  	[spmem:s2] =	stream.indirect.scatter.add.f32 [tilespmem:s22], [sflag:$0x4], $0x80, s23, s21, $0xb8;
	[tilespmem:$0x1E000] =	vst v63  }
0x6b: {  	_ =	swait.ge [sflag:s25], $0x3E80  }
0x6c: {  	[sflag:s25] =	ssyncset.done $0x0  }
0x6d: {  	s5 =	sor.u32 $0x14400, s3;
	[sflag:s25] =	ssyncadd.s32 $0xFFFFC180  }
0x6e: {  	[tilespmem:s22], [sflag:$0x1] =	stream.indirect.gather [hbm4b:s1+s21], $0x80, s5, s21, $0xb8;
	[tilespmem:$0x1E000] =	vst v63  }
0x6f: {  	_ =	swait.ge [sflag:s20], $0x3E80  }
0x70: {  	[sflag:s20] =	ssyncset.done $0x0  }
0x71: {  	s23 =	sor.u32 $0x15380, s3;
	[sflag:s20] =	ssyncadd.s32 $0xFFFFC180  }
0x72: {  	[spmem:s2] =	stream.indirect.scatter.add.f32 [tilespmem:s24], [sflag:$0x4], $0x80, s23, s21, $0xb8;
	[tilespmem:$0x1E000] =	vst v63  }
0x73: {  	_ =	swait.ge [sflag:s25], $0x3E80  }
0x74: {  	[sflag:s25] =	ssyncset.done $0x0  }
0x75: {  	s5 =	sor.u32 $0x14480, s3;
	[sflag:s25] =	ssyncadd.s32 $0xFFFFC180  }
0x76: {  	[tilespmem:s24], [sflag:$0x2] =	stream.indirect.gather [hbm4b:s1+s21], $0x80, s5, s21, $0xb8;
	[tilespmem:$0x1E000] =	vst v63  }
0x77: {  	_ =	swait.ge [sflag:s19], $0x3E80  }
0x78: {  	[sflag:s19] =	ssyncset.done $0x0  }
0x79: {  	s23 =	sor.u32 $0x15400, s3;
	[sflag:s19] =	ssyncadd.s32 $0xFFFFC180  }
0x7a: {  	[spmem:s2] =	stream.indirect.scatter.add.f32 [tilespmem:s22], [sflag:$0x4], $0x80, s23, s21, $0xb8;
	[tilespmem:$0x1E000] =	vst v63  }
0x7b: {  	_ =	swait.ge [sflag:s25], $0x3E80  }
0x7c: {  	[sflag:s25] =	ssyncset.done $0x0  }
0x7d: {  	s5 =	sor.u32 $0x14500, s3;
	[sflag:s25] =	ssyncadd.s32 $0xFFFFC180  }
0x7e: {  	[tilespmem:s22], [sflag:$0x1] =	stream.indirect.gather [hbm4b:s1+s21], $0x80, s5, s21, $0xb8;
	[tilespmem:$0x1E000] =	vst v63  }
0x7f: {  	_ =	swait.ge [sflag:s20], $0x3E80  }
0x80: {  	[sflag:s20] =	ssyncset.done $0x0  }
0x81: {  	s23 =	sor.u32 $0x15480, s3;
	[sflag:s20] =	ssyncadd.s32 $0xFFFFC180  }
0x82: {  	[spmem:s2] =	stream.indirect.scatter.add.f32 [tilespmem:s24], [sflag:$0x4], $0x80, s23, s21, $0xb8;
	[tilespmem:$0x1E000] =	vst v63  }
0x83: {  	_ =	swait.ge [sflag:s25], $0x3E80  }
0x84: {  	[sflag:s25] =	ssyncset.done $0x0  }
0x85: {  	s5 =	sor.u32 $0x14580, s3;
	[sflag:s25] =	ssyncadd.s32 $0xFFFFC180  }
0x86: {  	[tilespmem:s24], [sflag:$0x2] =	stream.indirect.gather [hbm4b:s1+s21], $0x80, s5, s21, $0xb8;
	[tilespmem:$0x1E000] =	vst v63  }
0x87: {  	_ =	swait.ge [sflag:s19], $0x3E80  }
0x88: {  	[sflag:s19] =	ssyncset.done $0x0  }
0x89: {  	s23 =	sor.u32 $0x15500, s3;
	[sflag:s19] =	ssyncadd.s32 $0xFFFFC180  }
0x8a: {  	[spmem:s2] =	stream.indirect.scatter.add.f32 [tilespmem:s22], [sflag:$0x4], $0x80, s23, s21, $0xb8;
	[tilespmem:$0x1E000] =	vst v63  }
0x8b: {  	_ =	swait.ge [sflag:s25], $0x3E80  }
0x8c: {  	[sflag:s25] =	ssyncset.done $0x0  }
0x8d: {  	s5 =	sor.u32 $0x14600, s3;
	[sflag:s25] =	ssyncadd.s32 $0xFFFFC180  }
0x8e: {  	[tilespmem:s22], [sflag:$0x1] =	stream.indirect.gather [hbm4b:s1+s21], $0x80, s5, s21, $0xb8;
	[tilespmem:$0x1E000] =	vst v63  }
0x8f: {  	_ =	swait.ge [sflag:s20], $0x3E80  }
0x90: {  	[sflag:s20] =	ssyncset.done $0x0  }
0x91: {  	s23 =	sor.u32 $0x15580, s3;
	[sflag:s20] =	ssyncadd.s32 $0xFFFFC180  }
0x92: {  	[spmem:s2] =	stream.indirect.scatter.add.f32 [tilespmem:s24], [sflag:$0x4], $0x80, s23, s21, $0xb8;
	[tilespmem:$0x1E000] =	vst v63  }
0x93: {  	_ =	swait.ge [sflag:s25], $0x3E80  }
0x94: {  	[sflag:s25] =	ssyncset.done $0x0  }
0x95: {  	s5 =	sor.u32 $0x14680, s3;
	[sflag:s25] =	ssyncadd.s32 $0xFFFFC180  }
0x96: {  	[tilespmem:s24], [sflag:$0x2] =	stream.indirect.gather [hbm4b:s1+s21], $0x80, s5, s21, $0xb8;
	[tilespmem:$0x1E000] =	vst v63  }
0x97: {  	_ =	swait.ge [sflag:s19], $0x3E80  }
0x98: {  	[sflag:s19] =	ssyncset.done $0x0  }
0x99: {  	s23 =	sor.u32 $0x15600, s3;
	[sflag:s19] =	ssyncadd.s32 $0xFFFFC180  }
0x9a: {  	[spmem:s2] =	stream.indirect.scatter.add.f32 [tilespmem:s22], [sflag:$0x4], $0x80, s23, s21, $0xb8;
	[tilespmem:$0x1E000] =	vst v63  }
0x9b: {  	_ =	swait.ge [sflag:s25], $0x3E80  }
0x9c: {  	[sflag:s25] =	ssyncset.done $0x0  }
0x9d: {  	s5 =	sor.u32 $0x14700, s3;
	[sflag:s25] =	ssyncadd.s32 $0xFFFFC180  }
0x9e: {  	[tilespmem:s22], [sflag:$0x1] =	stream.indirect.gather [hbm4b:s1+s21], $0x80, s5, s21, $0xb8;
	[tilespmem:$0x1E000] =	vst v63  }
0x9f: {  	_ =	swait.ge [sflag:s20], $0x3E80  }
0xa0: {  	[sflag:s20] =	ssyncset.done $0x0  }
0xa1: {  	s23 =	sor.u32 $0x15680, s3;
	[sflag:s20] =	ssyncadd.s32 $0xFFFFC180  }
0xa2: {  	[spmem:s2] =	stream.indirect.scatter.add.f32 [tilespmem:s24], [sflag:$0x4], $0x80, s23, s21, $0xb8;
	[tilespmem:$0x1E000] =	vst v63  }
0xa3: {  	_ =	swait.ge [sflag:s25], $0x3E80  }
0xa4: {  	p0 =	seq.s32 s0, $0x400;
	[sflag:s25] =	ssyncset.done $0x0  }
0xa5: {  	s18 =	simm.s32 @!p0 $0x3;
	[sflag:s25] =	ssyncadd.s32 $0xFFFFC180  }
0xa6: {  	_ =	swait.ge @!p0 [sflag:s18], $0x800  }
0xa7: {  	[sflag:s18] =	ssyncset.done @!p0 $0x0  }
0xa8: {  	[sflag:s18] =	ssyncadd.s32 @!p0 $0xFFFFF800  }
0xa9: {  	_ =	swait.ge @!p0 [sflag:s18], $0x800  }
0xaa: {  	[sflag:s18] =	ssyncset.done @!p0 $0x0  }
0xab: {  	s5 =	sor.u32 $0x14780, s3;
	[sflag:s18] =	ssyncadd.s32 @!p0 $0xFFFFF800  }
0xac: {  	[tilespmem:s24], [sflag:$0x2] =	stream.indirect.gather [hbm4b:s1+s21], $0x80, s5, s21, $0xb8;
	[tilespmem:$0x1E000] =	vst v63  }
0xad: {  	_ =	swait.ge [sflag:s19], $0x3E80  }
0xae: {  	s23 =	sor.u32 $0x700, s3;
	p0 =	sne.s32 s0, $0x400;
	[sflag:s19] =	ssyncset.done $0x0  }
.Ltmp2:
0xaf: {  	s18 =	sor.u32 $0x15000, s23;
	[sflag:s19] =	ssyncadd.s32 $0xFFFFC180;
	(pc) =	sbr.rel @!p0 .LBB2_3-.Ltmp2, $4  }
0xb0: {  	[spmem:s2] =	stream.indirect.scatter.add.f32 [tilespmem:s22], [sflag:$0x4], $0x80, s18, s21, $0xb8;
	[tilespmem:$0x1E000] =	vst v63  }
0xb1: {  	_ =	swait.ge [sflag:s25], $0x3E80  }
0xb2: {  	[sflag:s25] =	ssyncset.done $0x0  }
0xb3: {  	s18 =	sor.u32 $0x780, s3;
	[sflag:s25] =	ssyncadd.s32 $0xFFFFC180  }
0xb4: {  	s23 =	sshrl.u32 s30, $0x2  }
0xb5: {  	s23 =	sand.u32 $0x800, s23  }
0xb6: {  	s5 =	sor.u32 $0x14000, s23  }
0xb7: {  	[tilespmem:s22], [sflag:$0x1] =	stream.indirect.gather [hbm4b:s1+s21], $0x80, s5, s21, $0xb8;
	[tilespmem:$0x1E000] =	vst v63  }
0xb8: {  	_ =	swait.ge [sflag:s20], $0x3E80  }
0xb9: {  	[sflag:s20] =	ssyncset.done $0x0  }
0xba: {  	s18 =	sor.u32 $0x15000, s18;
	[sflag:s20] =	ssyncadd.s32 $0xFFFFC180  }
0xbb: {  	[spmem:s2] =	stream.indirect.scatter.add.f32 [tilespmem:s24], [sflag:$0x4], $0x80, s18, s21, $0xb8;
	[tilespmem:$0x1E000] =	vst v63  }
0xbc: {  	_ =	swait.ge [sflag:s25], $0x3E80  }
0xbd: {  	[sflag:s25] =	ssyncset.done $0x0  }
0xbe: {  	p0 =	sgt.u32 s16, $0x2;
	s23 =	sor.u32 $0x14080, s23;
	[sflag:s25] =	ssyncadd.s32 $0xFFFFC180  }
0xbf: {  	[tilespmem:s24], [sflag:$0x2] =	stream.indirect.gather [hbm4b:s1+s21], $0x80, s23, s21, $0xb8;
	[tilespmem:$0x1E000] =	vst v63  }
0xc0: {  	s3 =	sor.u32 @!p0 $0x14000, s3;
	s5 =	sadd.s32 @!p0 s0, s14;
	s18 =	simm.s32 @!p0 $0x0  }
0xc1: {  	[tilespmem:s3], [sflag:$0x3] =	stream.linear.gather @!p0 [hbm4b:s5+s18], $0x800, $0x38;
	[tilespmem:$0x1E000] =	vst v63  }
0xc2: {  	s3 =	sadd.s32 @!p0 s0, s13;
	s0 =	sadd.s32 $0x100, s0  }
0xc3: {  	[tilespmem:s17], [sflag:$0x3] =	stream.linear.gather @!p0 [hbm4b:s3+s18], $0x800, $0x38;
	[tilespmem:$0x1E000] =	vst v63  }
0xc4: {  	p0 =	sne.s32 s0, $0x500  }
.Ltmp3:
0xc5: {  	_ = 	snop;
	(pc) =	sbr.rel @p0 .LBB2_2-.Ltmp3, $4  }
.Ltmp4:
0xc6: {  	_ = 	snop;
	(pc) =	sbr.rel @!p0 .LBB2_5-.Ltmp4, $4  }
0xc7: {  	_ = 	snop  }
0xc8: {  	_ = 	snop  }
0xc9: {  	s30 =	sadd.s32 $0x2000, s30;
	s31 =	sadd.s32 $0x800, s31;
	s16 =	sadd.s32 $0x1, s16  }
0xca: {  	_ = 	snop  }
.LBB2_6:
0xcb: {  	_ =	sfence.sel $0x180000  }
0xcc: {  	[bflag:$0x0] =	sbarrier.arrive $0xFFFF  }
0xcd: {  	_ =	strace $0x90000047  }
0xce: {  	s0 =	stileid.u32;
	[bflag:$0x2] =	sbarrier.arrive $0xFFFF  }
0xcf: {  	p0 =	sne.s32 s0, $0x0;
	s0 =	rddreg [dreg:$0x3]  }
0xd0: {  	s0 =	sadd.s32 @!p0 $0x100000, s0  }
0xd1: {  	[sflag:s0] =	ssyncadd.tile.s32 @!p0 $0x1;
	_ =	shalt  }
.Lfunc_end2:
_tile_overlayer_lowered:
.L_overlay_start_2:
0xd2: {  	(tag) =	ssettag $0x2  }
0xd3: {  	s0 =	rddreg [dreg:$0x0];
	s2 =	stileid.u32  }
0xd4: {  	s1 =	rddreg [dreg:$0x1];
	p0 =	sne.s32 s2, $0x0  }
0xd5: {  	s3 =	rddreg [dreg:$0x2];
	[bflag:$0x3] =	sbarrier.arrive $0xFFFF;
	s2 =	simm.s32 @!p0 $0x1C04  }
0xd6: {  	[timem:s3], [sflag:s2] =	dma.local @!p0 [hbm:s0], s1  }
0xd7: {  	s0 =	simm.s32 @!p0 $0x4  }
0xd8: {  	_ =	swait.ge @!p0 [sflag:s0], s1  }
0xd9: {  	s1 =	ssub.s32 @!p0 $0x0, s1;
	[sflag:s0] =	ssyncset.done @!p0 $0x0  }
0xda: {  	[sflag:s0] =	ssyncadd.s32 @!p0 s1  }
0xdb: {  	[bflag:$0x3] =	sbarrier.arrive $0xFFFF  }
0xdc: {  	_ =	shalt  }

</sc_bundles>
